<compile_context>
chip_gen: v7x
topology: tpu7x:2x2x1
jax: 0.10.2.dev20260603
libtpu: 0.0.44.dev20260713+nightly
codegen_flags: <defaults>
</compile_context>

<pallas_src>
import functools

import jax
import jax.numpy as jnp
from jax import lax
from jax.experimental import pallas as pl
from jax.experimental.pallas import tpu as pltpu
from jax.experimental.pallas import tpu_sc as plsc

_NC = 2
_NS = 16
_NW = _NC * _NS


def _sc_gather(em_rm, hist2, eu, eg, user_ids, movie_ids, genre_ids):
    D = em_rm.shape[1]
    R = hist2.shape[1]
    B = user_ids.shape[0]
    bpw = B // _NW
    ng = hist2.shape[0] // _NW
    NB = 10
    LOOK = 8
    mesh = plsc.VectorSubcoreMesh(core_axis_name="c", subcore_axis_name="s",
                                  num_cores=_NC, num_subcores=_NS)

    @functools.partial(
        pl.kernel,
        out_type=(
            jax.ShapeDtypeStruct((B, D), jnp.float32),
            jax.ShapeDtypeStruct((hist2.shape[0], R, D), jnp.float32),
            jax.ShapeDtypeStruct((B, D), jnp.float32),
            jax.ShapeDtypeStruct((B, D), jnp.float32),
        ),
        mesh=mesh,
        scratch_types=[
            pltpu.VMEM((bpw,), jnp.int32),
            pltpu.VMEM((bpw, D), jnp.float32),
            pltpu.VMEM((ng, R), jnp.int32),
            pltpu.VMEM((NB, R, D), jnp.float32),
            pltpu.SemaphoreType.DMA,
            pltpu.SemaphoreType.DMA,
        ],
        compiler_params=pltpu.CompilerParams(use_tc_tiling_on_sc=False),
    )
    def k(em, hid, eut, egt, uid, mid, gid, us_o, uh_o, im_o, ig_o,
          idx_s, val_s, hidx, hbuf, gsem, wsem):
        w = lax.axis_index("s") * _NC + lax.axis_index("c")
        g0 = w * ng
        base = w * bpw

        pltpu.sync_copy(hid.at[pl.ds(g0, ng)], hidx)

        def g_start(g, slot):
            return pltpu.async_copy(em.at[hidx.at[g]], hbuf.at[slot], gsem)

        def g_wait(g, slot):
            pltpu.make_async_copy(em.at[hidx.at[g]], hbuf.at[slot], gsem).wait()

        def w_start(g, slot):
            return pltpu.async_copy(hbuf.at[slot], uh_o.at[g0 + g], wsem)

        def w_wait(g, slot):
            pltpu.make_async_copy(hbuf.at[slot], uh_o.at[g0 + g], wsem).wait()

        for b in range(LOOK):
            g_start(b, b)

        @pl.loop(0, ng // NB)
        def _(i):
            for b in range(NB):
                g = i * NB + b

                @pl.when(g >= 2)
                def _():
                    w_wait(g - 2, (b - 2) % NB)

                @pl.when(g + LOOK < ng)
                def _():
                    g_start(g + LOOK, (b + LOOK) % NB)

                g_wait(g, b)
                w_start(g, b)

        w_wait(ng - 2, (ng - 2) % NB)
        w_wait(ng - 1, (ng - 1) % NB)

        for ids_hbm, table, out in ((uid, eut, us_o), (mid, em, im_o),
                                    (gid, egt, ig_o)):
            pltpu.sync_copy(ids_hbm.at[pl.ds(base, bpw)], idx_s)
            pltpu.async_copy(table.at[idx_s], val_s, gsem).wait()
            pltpu.sync_copy(val_s, out.at[pl.ds(base, bpw)])

    return k(em_rm, hist2, eu, eg, user_ids, movie_ids, genre_ids)


def _tc_towers(us, uh, im, ig, Wu1a, Wu1b, bu1, Wu2, bu2,
               Wi1a, Wi1b, bi1, Wi2, bi2):
    B = uh.shape[0]
    BLK = 512

    def body(us_r, uh_r, im_r, ig_r, wu1a_r, wu1b_r, bu1_r, wu2_r, bu2_r,
             wi1a_r, wi1b_r, bi1_r, wi2_r, bi2_r, o_r):
        f32 = jnp.float32
        hu = jnp.dot(us_r[...], wu1a_r[...], preferred_element_type=f32)
        hu += jnp.dot(uh_r[...], wu1b_r[...], preferred_element_type=f32)
        hu = jnp.maximum(hu + bu1_r[...], 0.0)
        uo = jnp.dot(hu, wu2_r[...], preferred_element_type=f32) + bu2_r[...]
        hi = jnp.dot(im_r[...], wi1a_r[...], preferred_element_type=f32)
        hi += jnp.dot(ig_r[...], wi1b_r[...], preferred_element_type=f32)
        hi = jnp.maximum(hi + bi1_r[...], 0.0)
        io = jnp.dot(hi, wi2_r[...], preferred_element_type=f32) + bi2_r[...]
        o_r[...] = jax.nn.sigmoid(jnp.sum(uo * io, axis=1))

    def row_spec(arr):
        return pl.BlockSpec((BLK, arr.shape[1]), lambda i: (i, 0))

    def full_spec(arr):
        return pl.BlockSpec(arr.shape, lambda i: (0,) * arr.ndim)

    args = (us, uh, im, ig, Wu1a, Wu1b, bu1, Wu2, bu2,
            Wi1a, Wi1b, bi1, Wi2, bi2)
    specs = [row_spec(us), row_spec(uh), row_spec(im), row_spec(ig)] + [
        full_spec(a) for a in args[4:]
    ]
    return pl.pallas_call(
        body,
        grid=(B // BLK,),
        in_specs=specs,
        out_specs=pl.BlockSpec((BLK,), lambda i: (i,)),
        out_shape=jax.ShapeDtypeStruct((B,), jnp.float32),
    )(*args)


def kernel(E_user, E_movie, E_genre, Wu1, bu1, Wu2, bu2, Wi1, bi1, Wi2, bi2,
           user_ids, hist_ids, movie_ids, genre_ids):
    B, L = hist_ids.shape
    V, D = E_movie.shape
    hist2 = hist_ids.astype(jnp.int32).reshape(B * L // 128, 128)
    us, uh, im, ig = _sc_gather(
        E_movie, hist2, E_user, E_genre,
        user_ids.astype(jnp.int32), movie_ids.astype(jnp.int32),
        genre_ids.astype(jnp.int32))
    uh2 = uh.reshape(B, L * D)
    return _tc_towers(us, uh2, im, ig,
                      Wu1[:D], Wu1[D:], bu1[None], Wu2, bu2[None],
                      Wi1[:D], Wi1[D:], bi1[None], Wi2, bi2[None])

# --- scband reference (transcript-rebuilt; emitter-appended) ---
"""Pipeline reference for scband-dssm-51522427683226 (READ-ONLY COPY).

The authoritative reference and input builder live on the scoring server;
editing this copy changes nothing except your own understanding.
"""

import jax, jax.numpy as jnp
import numpy as np


def setup_inputs(seed: int = 0) -> dict:
    key = jax.random.key(seed)
    ks = jax.random.split(key, 12)
    B = 4096
    V_user = 1000000
    V_movie = 1000000
    V_genre = 1000
    D = 32
    L = 50
    user_ids = jax.random.randint(ks[0], (B,), 0, V_user)
    hist_ids = jax.random.randint(ks[1], (B, L), 0, V_movie)
    movie_ids = jax.random.randint(ks[2], (B,), 0, V_movie)
    genre_ids = jax.random.randint(ks[3], (B,), 0, V_genre)
    # embedding tables, nn.init.normal_(std=0.01)
    E_user = jax.random.normal(ks[4], (V_user, D), dtype=jnp.float32) * 0.01
    E_movie = jax.random.normal(ks[5], (V_movie, D), dtype=jnp.float32) * 0.01
    E_genre = jax.random.normal(ks[6], (V_genre, D), dtype=jnp.float32) * 0.01
    u_in = D + L * D  # 1632
    i_in = 2 * D      # 64
    Wu1 = jax.random.normal(ks[7], (u_in, 64), dtype=jnp.float32) * 0.02
    bu1 = jnp.zeros((64,), dtype=jnp.float32)
    Wu2 = jax.random.normal(ks[8], (64, 32), dtype=jnp.float32) * 0.05
    bu2 = jnp.zeros((32,), dtype=jnp.float32)
    Wi1 = jax.random.normal(ks[9], (i_in, 64), dtype=jnp.float32) * 0.05
    bi1 = jnp.zeros((64,), dtype=jnp.float32)
    Wi2 = jax.random.normal(ks[10], (64, 32), dtype=jnp.float32) * 0.05
    bi2 = jnp.zeros((32,), dtype=jnp.float32)
    return {
        "E_user": E_user, "E_movie": E_movie, "E_genre": E_genre,
        "Wu1": Wu1, "bu1": bu1, "Wu2": Wu2, "bu2": bu2,
        "Wi1": Wi1, "bi1": bi1, "Wi2": Wi2, "bi2": bi2,
        "user_ids": user_ids, "hist_ids": hist_ids,
        "movie_ids": movie_ids, "genre_ids": genre_ids,
    }


def reference(E_user, E_movie, E_genre, Wu1, bu1, Wu2, bu2, Wi1, bi1, Wi2, bi2,
              user_ids, hist_ids, movie_ids, genre_ids):
    B = user_ids.shape[0]
    # user tower inputs: sparse user embedding + flattened history embedding
    u_sparse = jnp.take(E_user, user_ids, axis=0)                 # [B, 32]
    u_hist = jnp.take(E_movie, hist_ids, axis=0).reshape(B, -1)   # [B, 50*32]
    user_emb = jnp.concatenate([u_sparse, u_hist], axis=1)        # [B, 1632]
    # item tower inputs
    i_movie = jnp.take(E_movie, movie_ids, axis=0)                # [B, 32]
    i_genre = jnp.take(E_genre, genre_ids, axis=0)                # [B, 32]
    item_emb = jnp.concatenate([i_movie, i_genre], axis=1)        # [B, 64]
    # DNN towers (dropout=0 -> identity)
    user_out = jnp.maximum(user_emb @ Wu1 + bu1, 0.0) @ Wu2 + bu2  # [B, 32]
    item_out = jnp.maximum(item_emb @ Wi1 + bi1, 0.0) @ Wi2 + bi2  # [B, 32]
    return jax.nn.sigmoid(jnp.sum(user_out * item_out, axis=1))    # [B]

if __name__ == "__main__":
    import jax
    _d = setup_inputs()
    print(jax.jit(kernel)(*tuple(_d.values())))

</pallas_src>

<mosaic_0001>
#map = affine_map<(d0, d1) -> (0, 0)>
#map1 = affine_map<(d0, d1) -> (0)>
#map2 = affine_map<(d0, d1) -> (0, 0, 0)>
module attributes {stable_mosaic.version = 14 : i64} {
  func.func @k(%arg0: i32, %arg1: i32, %arg2: memref<1000000x32xf32, #tpu.memory_space<hbm>>, %arg3: memref<1600x128xi32, #tpu.memory_space<hbm>>, %arg4: memref<1000000x32xf32, #tpu.memory_space<hbm>>, %arg5: memref<1000x32xf32, #tpu.memory_space<hbm>>, %arg6: memref<4096xi32, #tpu.memory_space<hbm>>, %arg7: memref<4096xi32, #tpu.memory_space<hbm>>, %arg8: memref<4096xi32, #tpu.memory_space<hbm>>, %arg9: memref<4096x32xf32, #tpu.memory_space<hbm>>, %arg10: memref<1600x128x32xf32, #tpu.memory_space<hbm>>, %arg11: memref<4096x32xf32, #tpu.memory_space<hbm>>, %arg12: memref<4096x32xf32, #tpu.memory_space<hbm>>, %arg13: memref<128xi32, #tpu.memory_space<vmem>>, %arg14: memref<128x32xf32, #tpu.memory_space<vmem>>, %arg15: memref<50x128xi32, #tpu.memory_space<vmem>>, %arg16: memref<10x128x32xf32, #tpu.memory_space<vmem>>, %arg17: memref<!tpu.dma_semaphore, #tpu.memory_space<semaphore_mem>>, %arg18: memref<!tpu.dma_semaphore, #tpu.memory_space<semaphore_mem>>) attributes {dimension_semantics = [#tpu.dimension_semantics<core_parallel>, #tpu.dimension_semantics<subcore_parallel>], iteration_bounds = array<i64: 2, 16>, scalar_prefetch = 0 : i64, scratch_operands = 6 : i64, tpu.core_type = #tpu.core_type<sc_vector_subcore>, window_params = [{transform_indices = #map}, {transform_indices = #map}, {transform_indices = #map}, {transform_indices = #map}, {transform_indices = #map1}, {transform_indices = #map1}, {transform_indices = #map1}, {transform_indices = #map}, {transform_indices = #map2}, {transform_indices = #map}, {transform_indices = #map}]} {
    %mul3A = arith.constant 2 : i32
    %mul3A_0 = arith.muli %arg1, %mul3A : i32
    %add3A = arith.addi %mul3A_0, %arg0 : i32
    %mul3A_1 = arith.constant 50 : i32
    %mul3A_2 = arith.muli %add3A, %mul3A_1 : i32
    %mul3A_3 = arith.constant 128 : i32
    %mul3A_4 = arith.muli %add3A, %mul3A_3 : i32
    "tpu.region"() ({
      %run_scoped3A = tpu.sem_alloc : memref<!tpu.dma_semaphore, #tpu.memory_space<semaphore_mem>>
      %dma_start3A_159 = arith.constant 0 : i32
      %dma_start3A_160 = tpu.memref_slice %arg3[%mul3A_2, %dma_start3A_159] : memref<1600x128xi32, #tpu.memory_space<hbm>> -> memref<50x128xi32, #tpu.memory_space<hbm>>
      %dma_start3A_161 = arith.constant 0 : i32
      %dma_start3A_162 = tpu.memref_slice %arg3[%mul3A_2, %dma_start3A_161] : memref<1600x128xi32, #tpu.memory_space<hbm>> -> memref<50x128xi32, #tpu.memory_space<hbm>>
      tpu.enqueue_dma source(%dma_start3A_162 : memref<50x128xi32, #tpu.memory_space<hbm>>) target(%arg15 : memref<50x128xi32, #tpu.memory_space<vmem>>) target_semaphore(%run_scoped3A : memref<!tpu.dma_semaphore, #tpu.memory_space<semaphore_mem>>)
      %dma_wait3A_163 = arith.constant 0 : i32
      %dma_wait3A_164 = tpu.memref_slice %arg3[%mul3A_2, %dma_wait3A_163] : memref<1600x128xi32, #tpu.memory_space<hbm>> -> memref<50x128xi32, #tpu.memory_space<hbm>>
      %dma_wait3A_165 = arith.constant 0 : i32
      %dma_wait3A_166 = tpu.memref_slice %arg3[%mul3A_2, %dma_wait3A_165] : memref<1600x128xi32, #tpu.memory_space<hbm>> -> memref<50x128xi32, #tpu.memory_space<hbm>>
      tpu.wait_dma2 semaphore(%run_scoped3A : memref<!tpu.dma_semaphore, #tpu.memory_space<semaphore_mem>>) src(%dma_wait3A_166 : memref<50x128xi32, #tpu.memory_space<hbm>>) dst(%arg15 : memref<50x128xi32, #tpu.memory_space<vmem>>)
      tpu.yield
    }) : () -> ()
    %dma_start3A = arith.constant 0 : i32
    %dma_start3A_5 = arith.constant 0 : i32
    %dma_start3A_6 = arith.constant 0 : i32
    %dma_start3A_7 = arith.constant 0 : i32
    %dma_start3A_8 = tpu.memref_slice %arg16[%dma_start3A_5, %dma_start3A_6, %dma_start3A_7] : memref<10x128x32xf32, #tpu.memory_space<vmem>> -> memref<1x128x32xf32, #tpu.memory_space<vmem>>
    %dma_start3A_9 = tpu.memref_squeeze %dma_start3A_8 : memref<1x128x32xf32, #tpu.memory_space<vmem>> -> memref<128x32xf32, #tpu.memory_space<vmem>>
    %dma_start3A_10 = arith.constant 0 : i32
    %dma_start3A_11 = tpu.memref_slice %arg15[%dma_start3A, %dma_start3A_10] : memref<50x128xi32, #tpu.memory_space<vmem>> -> memref<1x128xi32, #tpu.memory_space<vmem>>
    %dma_start3A_12 = tpu.memref_squeeze %dma_start3A_11 : memref<1x128xi32, #tpu.memory_space<vmem>> -> memref<128xi32, #tpu.memory_space<vmem>>
    %dma_start3A_13 = arith.constant 0 : i32
    %dma_start3A_14 = arith.constant 0 : i32
    %dma_start3A_15 = tpu.memref_slice %arg2[%dma_start3A_13, %dma_start3A_14] : memref<1000000x32xf32, #tpu.memory_space<hbm>> -> memref<1000000x32xf32, #tpu.memory_space<hbm>>
    tpu.enqueue_indirect_dma source(%dma_start3A_15 : memref<1000000x32xf32, #tpu.memory_space<hbm>>) target(%dma_start3A_9 : memref<128x32xf32, #tpu.memory_space<vmem>>) offsets(%dma_start3A_12 : memref<128xi32, #tpu.memory_space<vmem>>) semaphore(%arg17 : memref<!tpu.dma_semaphore, #tpu.memory_space<semaphore_mem>>)
    %dma_start3A_16 = arith.constant 1 : i32
    %dma_start3A_17 = arith.constant 1 : i32
    %dma_start3A_18 = arith.constant 0 : i32
    %dma_start3A_19 = arith.constant 0 : i32
    %dma_start3A_20 = tpu.memref_slice %arg16[%dma_start3A_17, %dma_start3A_18, %dma_start3A_19] : memref<10x128x32xf32, #tpu.memory_space<vmem>> -> memref<1x128x32xf32, #tpu.memory_space<vmem>>
    %dma_start3A_21 = tpu.memref_squeeze %dma_start3A_20 : memref<1x128x32xf32, #tpu.memory_space<vmem>> -> memref<128x32xf32, #tpu.memory_space<vmem>>
    %dma_start3A_22 = arith.constant 0 : i32
    %dma_start3A_23 = tpu.memref_slice %arg15[%dma_start3A_16, %dma_start3A_22] : memref<50x128xi32, #tpu.memory_space<vmem>> -> memref<1x128xi32, #tpu.memory_space<vmem>>
    %dma_start3A_24 = tpu.memref_squeeze %dma_start3A_23 : memref<1x128xi32, #tpu.memory_space<vmem>> -> memref<128xi32, #tpu.memory_space<vmem>>
    %dma_start3A_25 = arith.constant 0 : i32
    %dma_start3A_26 = arith.constant 0 : i32
    %dma_start3A_27 = tpu.memref_slice %arg2[%dma_start3A_25, %dma_start3A_26] : memref<1000000x32xf32, #tpu.memory_space<hbm>> -> memref<1000000x32xf32, #tpu.memory_space<hbm>>
    tpu.enqueue_indirect_dma source(%dma_start3A_27 : memref<1000000x32xf32, #tpu.memory_space<hbm>>) target(%dma_start3A_21 : memref<128x32xf32, #tpu.memory_space<vmem>>) offsets(%dma_start3A_24 : memref<128xi32, #tpu.memory_space<vmem>>) semaphore(%arg17 : memref<!tpu.dma_semaphore, #tpu.memory_space<semaphore_mem>>)
    %dma_start3A_28 = arith.constant 2 : i32
    %dma_start3A_29 = arith.constant 2 : i32
    %dma_start3A_30 = arith.constant 0 : i32
    %dma_start3A_31 = arith.constant 0 : i32
    %dma_start3A_32 = tpu.memref_slice %arg16[%dma_start3A_29, %dma_start3A_30, %dma_start3A_31] : memref<10x128x32xf32, #tpu.memory_space<vmem>> -> memref<1x128x32xf32, #tpu.memory_space<vmem>>
    %dma_start3A_33 = tpu.memref_squeeze %dma_start3A_32 : memref<1x128x32xf32, #tpu.memory_space<vmem>> -> memref<128x32xf32, #tpu.memory_space<vmem>>
    %dma_start3A_34 = arith.constant 0 : i32
    %dma_start3A_35 = tpu.memref_slice %arg15[%dma_start3A_28, %dma_start3A_34] : memref<50x128xi32, #tpu.memory_space<vmem>> -> memref<1x128xi32, #tpu.memory_space<vmem>>
    %dma_start3A_36 = tpu.memref_squeeze %dma_start3A_35 : memref<1x128xi32, #tpu.memory_space<vmem>> -> memref<128xi32, #tpu.memory_space<vmem>>
    %dma_start3A_37 = arith.constant 0 : i32
    %dma_start3A_38 = arith.constant 0 : i32
    %dma_start3A_39 = tpu.memref_slice %arg2[%dma_start3A_37, %dma_start3A_38] : memref<1000000x32xf32, #tpu.memory_space<hbm>> -> memref<1000000x32xf32, #tpu.memory_space<hbm>>
    tpu.enqueue_indirect_dma source(%dma_start3A_39 : memref<1000000x32xf32, #tpu.memory_space<hbm>>) target(%dma_start3A_33 : memref<128x32xf32, #tpu.memory_space<vmem>>) offsets(%dma_start3A_36 : memref<128xi32, #tpu.memory_space<vmem>>) semaphore(%arg17 : memref<!tpu.dma_semaphore, #tpu.memory_space<semaphore_mem>>)
    %dma_start3A_40 = arith.constant 3 : i32
    %dma_start3A_41 = arith.constant 3 : i32
    %dma_start3A_42 = arith.constant 0 : i32
    %dma_start3A_43 = arith.constant 0 : i32
    %dma_start3A_44 = tpu.memref_slice %arg16[%dma_start3A_41, %dma_start3A_42, %dma_start3A_43] : memref<10x128x32xf32, #tpu.memory_space<vmem>> -> memref<1x128x32xf32, #tpu.memory_space<vmem>>
    %dma_start3A_45 = tpu.memref_squeeze %dma_start3A_44 : memref<1x128x32xf32, #tpu.memory_space<vmem>> -> memref<128x32xf32, #tpu.memory_space<vmem>>
    %dma_start3A_46 = arith.constant 0 : i32
    %dma_start3A_47 = tpu.memref_slice %arg15[%dma_start3A_40, %dma_start3A_46] : memref<50x128xi32, #tpu.memory_space<vmem>> -> memref<1x128xi32, #tpu.memory_space<vmem>>
    %dma_start3A_48 = tpu.memref_squeeze %dma_start3A_47 : memref<1x128xi32, #tpu.memory_space<vmem>> -> memref<128xi32, #tpu.memory_space<vmem>>
    %dma_start3A_49 = arith.constant 0 : i32
    %dma_start3A_50 = arith.constant 0 : i32
    %dma_start3A_51 = tpu.memref_slice %arg2[%dma_start3A_49, %dma_start3A_50] : memref<1000000x32xf32, #tpu.memory_space<hbm>> -> memref<1000000x32xf32, #tpu.memory_space<hbm>>
    tpu.enqueue_indirect_dma source(%dma_start3A_51 : memref<1000000x32xf32, #tpu.memory_space<hbm>>) target(%dma_start3A_45 : memref<128x32xf32, #tpu.memory_space<vmem>>) offsets(%dma_start3A_48 : memref<128xi32, #tpu.memory_space<vmem>>) semaphore(%arg17 : memref<!tpu.dma_semaphore, #tpu.memory_space<semaphore_mem>>)
    %dma_start3A_52 = arith.constant 4 : i32
    %dma_start3A_53 = arith.constant 4 : i32
    %dma_start3A_54 = arith.constant 0 : i32
    %dma_start3A_55 = arith.constant 0 : i32
    %dma_start3A_56 = tpu.memref_slice %arg16[%dma_start3A_53, %dma_start3A_54, %dma_start3A_55] : memref<10x128x32xf32, #tpu.memory_space<vmem>> -> memref<1x128x32xf32, #tpu.memory_space<vmem>>
    %dma_start3A_57 = tpu.memref_squeeze %dma_start3A_56 : memref<1x128x32xf32, #tpu.memory_space<vmem>> -> memref<128x32xf32, #tpu.memory_space<vmem>>
    %dma_start3A_58 = arith.constant 0 : i32
    %dma_start3A_59 = tpu.memref_slice %arg15[%dma_start3A_52, %dma_start3A_58] : memref<50x128xi32, #tpu.memory_space<vmem>> -> memref<1x128xi32, #tpu.memory_space<vmem>>
    %dma_start3A_60 = tpu.memref_squeeze %dma_start3A_59 : memref<1x128xi32, #tpu.memory_space<vmem>> -> memref<128xi32, #tpu.memory_space<vmem>>
    %dma_start3A_61 = arith.constant 0 : i32
    %dma_start3A_62 = arith.constant 0 : i32
    %dma_start3A_63 = tpu.memref_slice %arg2[%dma_start3A_61, %dma_start3A_62] : memref<1000000x32xf32, #tpu.memory_space<hbm>> -> memref<1000000x32xf32, #tpu.memory_space<hbm>>
    tpu.enqueue_indirect_dma source(%dma_start3A_63 : memref<1000000x32xf32, #tpu.memory_space<hbm>>) target(%dma_start3A_57 : memref<128x32xf32, #tpu.memory_space<vmem>>) offsets(%dma_start3A_60 : memref<128xi32, #tpu.memory_space<vmem>>) semaphore(%arg17 : memref<!tpu.dma_semaphore, #tpu.memory_space<semaphore_mem>>)
    %dma_start3A_64 = arith.constant 5 : i32
    %dma_start3A_65 = arith.constant 5 : i32
    %dma_start3A_66 = arith.constant 0 : i32
    %dma_start3A_67 = arith.constant 0 : i32
    %dma_start3A_68 = tpu.memref_slice %arg16[%dma_start3A_65, %dma_start3A_66, %dma_start3A_67] : memref<10x128x32xf32, #tpu.memory_space<vmem>> -> memref<1x128x32xf32, #tpu.memory_space<vmem>>
    %dma_start3A_69 = tpu.memref_squeeze %dma_start3A_68 : memref<1x128x32xf32, #tpu.memory_space<vmem>> -> memref<128x32xf32, #tpu.memory_space<vmem>>
    %dma_start3A_70 = arith.constant 0 : i32
    %dma_start3A_71 = tpu.memref_slice %arg15[%dma_start3A_64, %dma_start3A_70] : memref<50x128xi32, #tpu.memory_space<vmem>> -> memref<1x128xi32, #tpu.memory_space<vmem>>
    %dma_start3A_72 = tpu.memref_squeeze %dma_start3A_71 : memref<1x128xi32, #tpu.memory_space<vmem>> -> memref<128xi32, #tpu.memory_space<vmem>>
    %dma_start3A_73 = arith.constant 0 : i32
    %dma_start3A_74 = arith.constant 0 : i32
    %dma_start3A_75 = tpu.memref_slice %arg2[%dma_start3A_73, %dma_start3A_74] : memref<1000000x32xf32, #tpu.memory_space<hbm>> -> memref<1000000x32xf32, #tpu.memory_space<hbm>>
    tpu.enqueue_indirect_dma source(%dma_start3A_75 : memref<1000000x32xf32, #tpu.memory_space<hbm>>) target(%dma_start3A_69 : memref<128x32xf32, #tpu.memory_space<vmem>>) offsets(%dma_start3A_72 : memref<128xi32, #tpu.memory_space<vmem>>) semaphore(%arg17 : memref<!tpu.dma_semaphore, #tpu.memory_space<semaphore_mem>>)
    %dma_start3A_76 = arith.constant 6 : i32
    %dma_start3A_77 = arith.constant 6 : i32
    %dma_start3A_78 = arith.constant 0 : i32
    %dma_start3A_79 = arith.constant 0 : i32
    %dma_start3A_80 = tpu.memref_slice %arg16[%dma_start3A_77, %dma_start3A_78, %dma_start3A_79] : memref<10x128x32xf32, #tpu.memory_space<vmem>> -> memref<1x128x32xf32, #tpu.memory_space<vmem>>
    %dma_start3A_81 = tpu.memref_squeeze %dma_start3A_80 : memref<1x128x32xf32, #tpu.memory_space<vmem>> -> memref<128x32xf32, #tpu.memory_space<vmem>>
    %dma_start3A_82 = arith.constant 0 : i32
    %dma_start3A_83 = tpu.memref_slice %arg15[%dma_start3A_76, %dma_start3A_82] : memref<50x128xi32, #tpu.memory_space<vmem>> -> memref<1x128xi32, #tpu.memory_space<vmem>>
    %dma_start3A_84 = tpu.memref_squeeze %dma_start3A_83 : memref<1x128xi32, #tpu.memory_space<vmem>> -> memref<128xi32, #tpu.memory_space<vmem>>
    %dma_start3A_85 = arith.constant 0 : i32
    %dma_start3A_86 = arith.constant 0 : i32
    %dma_start3A_87 = tpu.memref_slice %arg2[%dma_start3A_85, %dma_start3A_86] : memref<1000000x32xf32, #tpu.memory_space<hbm>> -> memref<1000000x32xf32, #tpu.memory_space<hbm>>
    tpu.enqueue_indirect_dma source(%dma_start3A_87 : memref<1000000x32xf32, #tpu.memory_space<hbm>>) target(%dma_start3A_81 : memref<128x32xf32, #tpu.memory_space<vmem>>) offsets(%dma_start3A_84 : memref<128xi32, #tpu.memory_space<vmem>>) semaphore(%arg17 : memref<!tpu.dma_semaphore, #tpu.memory_space<semaphore_mem>>)
    %dma_start3A_88 = arith.constant 7 : i32
    %dma_start3A_89 = arith.constant 7 : i32
    %dma_start3A_90 = arith.constant 0 : i32
    %dma_start3A_91 = arith.constant 0 : i32
    %dma_start3A_92 = tpu.memref_slice %arg16[%dma_start3A_89, %dma_start3A_90, %dma_start3A_91] : memref<10x128x32xf32, #tpu.memory_space<vmem>> -> memref<1x128x32xf32, #tpu.memory_space<vmem>>
    %dma_start3A_93 = tpu.memref_squeeze %dma_start3A_92 : memref<1x128x32xf32, #tpu.memory_space<vmem>> -> memref<128x32xf32, #tpu.memory_space<vmem>>
    %dma_start3A_94 = arith.constant 0 : i32
    %dma_start3A_95 = tpu.memref_slice %arg15[%dma_start3A_88, %dma_start3A_94] : memref<50x128xi32, #tpu.memory_space<vmem>> -> memref<1x128xi32, #tpu.memory_space<vmem>>
    %dma_start3A_96 = tpu.memref_squeeze %dma_start3A_95 : memref<1x128xi32, #tpu.memory_space<vmem>> -> memref<128xi32, #tpu.memory_space<vmem>>
    %dma_start3A_97 = arith.constant 0 : i32
    %dma_start3A_98 = arith.constant 0 : i32
    %dma_start3A_99 = tpu.memref_slice %arg2[%dma_start3A_97, %dma_start3A_98] : memref<1000000x32xf32, #tpu.memory_space<hbm>> -> memref<1000000x32xf32, #tpu.memory_space<hbm>>
    tpu.enqueue_indirect_dma source(%dma_start3A_99 : memref<1000000x32xf32, #tpu.memory_space<hbm>>) target(%dma_start3A_93 : memref<128x32xf32, #tpu.memory_space<vmem>>) offsets(%dma_start3A_96 : memref<128xi32, #tpu.memory_space<vmem>>) semaphore(%arg17 : memref<!tpu.dma_semaphore, #tpu.memory_space<semaphore_mem>>)
    %scan3A = arith.constant 0 : i32
    %scan3A_100 = arith.constant 5 : i32
    %scan3A_101 = arith.addi %scan3A, %scan3A_100 : i32
    %scan3A_102 = arith.constant 1 : i32
    scf.for %scan3A_159 = %scan3A to %scan3A_101 step %scan3A_102  : i32 {
      %mul3A_160 = arith.constant 1 : i32
      %mul3A_161 = arith.muli %scan3A_159, %mul3A_160 : i32
      %add3A_162 = arith.constant 0 : i32
      %add3A_163 = arith.addi %add3A_162, %mul3A_161 : i32
      %mul3A_164 = arith.constant 10 : i32
      %mul3A_165 = arith.muli %add3A_163, %mul3A_164 : i32
      %add3A_166 = arith.constant 0 : i32
      %add3A_167 = arith.addi %mul3A_165, %add3A_166 : i32
      %ge3A = arith.constant 2 : i32
      %ge3A_168 = arith.cmpi sge, %add3A_167, %ge3A : i32
      %convert_element_type3A = arith.extui %ge3A_168 : i1 to i32
      %cond3A = arith.constant 0 : i32
      %cond3A_169 = arith.cmpi ne, %convert_element_type3A, %cond3A : i32
      scf.if %cond3A_169 {
        %sub3A = arith.constant 2 : i32
        %sub3A_610 = arith.subi %add3A_167, %sub3A : i32
        %add3A_611 = arith.addi %mul3A_2, %sub3A_610 : i32
        %dma_wait3A_612 = arith.constant 8 : i32
        %dma_wait3A_613 = arith.constant 0 : i32
        %dma_wait3A_614 = arith.constant 0 : i32
        %dma_wait3A_615 = tpu.memref_slice %arg16[%dma_wait3A_612, %dma_wait3A_613, %dma_wait3A_614] : memref<10x128x32xf32, #tpu.memory_space<vmem>> -> memref<1x128x32xf32, #tpu.memory_space<vmem>>
        %dma_wait3A_616 = tpu.memref_squeeze %dma_wait3A_615 : memref<1x128x32xf32, #tpu.memory_space<vmem>> -> memref<128x32xf32, #tpu.memory_space<vmem>>
        %dma_wait3A_617 = arith.constant 0 : i32
        %dma_wait3A_618 = arith.constant 0 : i32
        %dma_wait3A_619 = tpu.memref_slice %arg10[%add3A_611, %dma_wait3A_617, %dma_wait3A_618] : memref<1600x128x32xf32, #tpu.memory_space<hbm>> -> memref<1x128x32xf32, #tpu.memory_space<hbm>>
        %dma_wait3A_620 = tpu.memref_squeeze %dma_wait3A_619 : memref<1x128x32xf32, #tpu.memory_space<hbm>> -> memref<128x32xf32, #tpu.memory_space<hbm>>
        %dma_wait3A_621 = arith.constant 0 : i32
        %dma_wait3A_622 = arith.constant 0 : i32
        %dma_wait3A_623 = tpu.memref_slice %arg10[%add3A_611, %dma_wait3A_621, %dma_wait3A_622] : memref<1600x128x32xf32, #tpu.memory_space<hbm>> -> memref<1x128x32xf32, #tpu.memory_space<hbm>>
        %dma_wait3A_624 = tpu.memref_squeeze %dma_wait3A_623 : memref<1x128x32xf32, #tpu.memory_space<hbm>> -> memref<128x32xf32, #tpu.memory_space<hbm>>
        %dma_wait3A_625 = arith.constant 0 : i32
        %dma_wait3A_626 = arith.constant 0 : i32
        %dma_wait3A_627 = tpu.memref_slice %arg16[%dma_wait3A_612, %dma_wait3A_625, %dma_wait3A_626] : memref<10x128x32xf32, #tpu.memory_space<vmem>> -> memref<1x128x32xf32, #tpu.memory_space<vmem>>
        %dma_wait3A_628 = tpu.memref_squeeze %dma_wait3A_627 : memref<1x128x32xf32, #tpu.memory_space<vmem>> -> memref<128x32xf32, #tpu.memory_space<vmem>>
        tpu.wait_dma2 semaphore(%arg18 : memref<!tpu.dma_semaphore, #tpu.memory_space<semaphore_mem>>) src(%dma_wait3A_628 : memref<128x32xf32, #tpu.memory_space<vmem>>) dst(%dma_wait3A_624 : memref<128x32xf32, #tpu.memory_space<hbm>>)
      } else {
      }
      %add3A_170 = arith.constant 8 : i32
      %add3A_171 = arith.addi %add3A_167, %add3A_170 : i32
      %lt3A = arith.constant 50 : i32
      %lt3A_172 = arith.cmpi slt, %add3A_171, %lt3A : i32
      %convert_element_type3A_173 = arith.extui %lt3A_172 : i1 to i32
      %cond3A_174 = arith.constant 0 : i32
      %cond3A_175 = arith.cmpi ne, %convert_element_type3A_173, %cond3A_174 : i32
      scf.if %cond3A_175 {
        %add3A_610 = arith.constant 8 : i32
        %add3A_611 = arith.addi %add3A_167, %add3A_610 : i32
        %dma_start3A_612 = arith.constant 8 : i32
        %dma_start3A_613 = arith.constant 0 : i32
        %dma_start3A_614 = arith.constant 0 : i32
        %dma_start3A_615 = tpu.memref_slice %arg16[%dma_start3A_612, %dma_start3A_613, %dma_start3A_614] : memref<10x128x32xf32, #tpu.memory_space<vmem>> -> memref<1x128x32xf32, #tpu.memory_space<vmem>>
        %dma_start3A_616 = tpu.memref_squeeze %dma_start3A_615 : memref<1x128x32xf32, #tpu.memory_space<vmem>> -> memref<128x32xf32, #tpu.memory_space<vmem>>
        %dma_start3A_617 = arith.constant 0 : i32
        %dma_start3A_618 = tpu.memref_slice %arg15[%add3A_611, %dma_start3A_617] : memref<50x128xi32, #tpu.memory_space<vmem>> -> memref<1x128xi32, #tpu.memory_space<vmem>>
        %dma_start3A_619 = tpu.memref_squeeze %dma_start3A_618 : memref<1x128xi32, #tpu.memory_space<vmem>> -> memref<128xi32, #tpu.memory_space<vmem>>
        %dma_start3A_620 = arith.constant 0 : i32
        %dma_start3A_621 = arith.constant 0 : i32
        %dma_start3A_622 = tpu.memref_slice %arg2[%dma_start3A_620, %dma_start3A_621] : memref<1000000x32xf32, #tpu.memory_space<hbm>> -> memref<1000000x32xf32, #tpu.memory_space<hbm>>
        tpu.enqueue_indirect_dma source(%dma_start3A_622 : memref<1000000x32xf32, #tpu.memory_space<hbm>>) target(%dma_start3A_616 : memref<128x32xf32, #tpu.memory_space<vmem>>) offsets(%dma_start3A_619 : memref<128xi32, #tpu.memory_space<vmem>>) semaphore(%arg17 : memref<!tpu.dma_semaphore, #tpu.memory_space<semaphore_mem>>)
      } else {
      }
      %dma_wait3A_176 = arith.constant 0 : i32
      %dma_wait3A_177 = arith.constant 0 : i32
      %dma_wait3A_178 = arith.constant 0 : i32
      %dma_wait3A_179 = tpu.memref_slice %arg16[%dma_wait3A_176, %dma_wait3A_177, %dma_wait3A_178] : memref<10x128x32xf32, #tpu.memory_space<vmem>> -> memref<1x128x32xf32, #tpu.memory_space<vmem>>
      %dma_wait3A_180 = tpu.memref_squeeze %dma_wait3A_179 : memref<1x128x32xf32, #tpu.memory_space<vmem>> -> memref<128x32xf32, #tpu.memory_space<vmem>>
      %dma_wait3A_181 = arith.constant 0 : i32
      %dma_wait3A_182 = tpu.memref_slice %arg15[%add3A_167, %dma_wait3A_181] : memref<50x128xi32, #tpu.memory_space<vmem>> -> memref<1x128xi32, #tpu.memory_space<vmem>>
      %dma_wait3A_183 = tpu.memref_squeeze %dma_wait3A_182 : memref<1x128xi32, #tpu.memory_space<vmem>> -> memref<128xi32, #tpu.memory_space<vmem>>
      %dma_wait3A_184 = arith.constant 0 : i32
      %dma_wait3A_185 = arith.constant 0 : i32
      %dma_wait3A_186 = tpu.memref_slice %arg2[%dma_wait3A_184, %dma_wait3A_185] : memref<1000000x32xf32, #tpu.memory_space<hbm>> -> memref<1000000x32xf32, #tpu.memory_space<hbm>>
      tpu.wait_indirect_dma semaphore(%arg17 : memref<!tpu.dma_semaphore, #tpu.memory_space<semaphore_mem>>) src(%dma_wait3A_186 : memref<1000000x32xf32, #tpu.memory_space<hbm>>) dst(%dma_wait3A_180 : memref<128x32xf32, #tpu.memory_space<vmem>>)
      %add3A_187 = arith.addi %mul3A_2, %add3A_167 : i32
      %dma_start3A_188 = arith.constant 0 : i32
      %dma_start3A_189 = arith.constant 0 : i32
      %dma_start3A_190 = arith.constant 0 : i32
      %dma_start3A_191 = tpu.memref_slice %arg16[%dma_start3A_188, %dma_start3A_189, %dma_start3A_190] : memref<10x128x32xf32, #tpu.memory_space<vmem>> -> memref<1x128x32xf32, #tpu.memory_space<vmem>>
      %dma_start3A_192 = tpu.memref_squeeze %dma_start3A_191 : memref<1x128x32xf32, #tpu.memory_space<vmem>> -> memref<128x32xf32, #tpu.memory_space<vmem>>
      %dma_start3A_193 = arith.constant 0 : i32
      %dma_start3A_194 = arith.constant 0 : i32
      %dma_start3A_195 = tpu.memref_slice %arg10[%add3A_187, %dma_start3A_193, %dma_start3A_194] : memref<1600x128x32xf32, #tpu.memory_space<hbm>> -> memref<1x128x32xf32, #tpu.memory_space<hbm>>
      %dma_start3A_196 = tpu.memref_squeeze %dma_start3A_195 : memref<1x128x32xf32, #tpu.memory_space<hbm>> -> memref<128x32xf32, #tpu.memory_space<hbm>>
      %dma_start3A_197 = arith.constant 0 : i32
      %dma_start3A_198 = arith.constant 0 : i32
      %dma_start3A_199 = tpu.memref_slice %arg10[%add3A_187, %dma_start3A_197, %dma_start3A_198] : memref<1600x128x32xf32, #tpu.memory_space<hbm>> -> memref<1x128x32xf32, #tpu.memory_space<hbm>>
      %dma_start3A_200 = tpu.memref_squeeze %dma_start3A_199 : memref<1x128x32xf32, #tpu.memory_space<hbm>> -> memref<128x32xf32, #tpu.memory_space<hbm>>
      %dma_start3A_201 = arith.constant 0 : i32
      %dma_start3A_202 = arith.constant 0 : i32
      %dma_start3A_203 = tpu.memref_slice %arg16[%dma_start3A_188, %dma_start3A_201, %dma_start3A_202] : memref<10x128x32xf32, #tpu.memory_space<vmem>> -> memref<1x128x32xf32, #tpu.memory_space<vmem>>
      %dma_start3A_204 = tpu.memref_squeeze %dma_start3A_203 : memref<1x128x32xf32, #tpu.memory_space<vmem>> -> memref<128x32xf32, #tpu.memory_space<vmem>>
      tpu.enqueue_dma source(%dma_start3A_204 : memref<128x32xf32, #tpu.memory_space<vmem>>) target(%dma_start3A_200 : memref<128x32xf32, #tpu.memory_space<hbm>>) target_semaphore(%arg18 : memref<!tpu.dma_semaphore, #tpu.memory_space<semaphore_mem>>)
      %mul3A_205 = arith.constant 10 : i32
      %mul3A_206 = arith.muli %add3A_163, %mul3A_205 : i32
      %add3A_207 = arith.constant 1 : i32
      %add3A_208 = arith.addi %mul3A_206, %add3A_207 : i32
      %ge3A_209 = arith.constant 2 : i32
      %ge3A_210 = arith.cmpi sge, %add3A_208, %ge3A_209 : i32
      %convert_element_type3A_211 = arith.extui %ge3A_210 : i1 to i32
      %cond3A_212 = arith.constant 0 : i32
      %cond3A_213 = arith.cmpi ne, %convert_element_type3A_211, %cond3A_212 : i32
      scf.if %cond3A_213 {
        %sub3A = arith.constant 2 : i32
        %sub3A_610 = arith.subi %add3A_208, %sub3A : i32
        %add3A_611 = arith.addi %mul3A_2, %sub3A_610 : i32
        %dma_wait3A_612 = arith.constant 9 : i32
        %dma_wait3A_613 = arith.constant 0 : i32
        %dma_wait3A_614 = arith.constant 0 : i32
        %dma_wait3A_615 = tpu.memref_slice %arg16[%dma_wait3A_612, %dma_wait3A_613, %dma_wait3A_614] : memref<10x128x32xf32, #tpu.memory_space<vmem>> -> memref<1x128x32xf32, #tpu.memory_space<vmem>>
        %dma_wait3A_616 = tpu.memref_squeeze %dma_wait3A_615 : memref<1x128x32xf32, #tpu.memory_space<vmem>> -> memref<128x32xf32, #tpu.memory_space<vmem>>
        %dma_wait3A_617 = arith.constant 0 : i32
        %dma_wait3A_618 = arith.constant 0 : i32
        %dma_wait3A_619 = tpu.memref_slice %arg10[%add3A_611, %dma_wait3A_617, %dma_wait3A_618] : memref<1600x128x32xf32, #tpu.memory_space<hbm>> -> memref<1x128x32xf32, #tpu.memory_space<hbm>>
        %dma_wait3A_620 = tpu.memref_squeeze %dma_wait3A_619 : memref<1x128x32xf32, #tpu.memory_space<hbm>> -> memref<128x32xf32, #tpu.memory_space<hbm>>
        %dma_wait3A_621 = arith.constant 0 : i32
        %dma_wait3A_622 = arith.constant 0 : i32
        %dma_wait3A_623 = tpu.memref_slice %arg10[%add3A_611, %dma_wait3A_621, %dma_wait3A_622] : memref<1600x128x32xf32, #tpu.memory_space<hbm>> -> memref<1x128x32xf32, #tpu.memory_space<hbm>>
        %dma_wait3A_624 = tpu.memref_squeeze %dma_wait3A_623 : memref<1x128x32xf32, #tpu.memory_space<hbm>> -> memref<128x32xf32, #tpu.memory_space<hbm>>
        %dma_wait3A_625 = arith.constant 0 : i32
        %dma_wait3A_626 = arith.constant 0 : i32
        %dma_wait3A_627 = tpu.memref_slice %arg16[%dma_wait3A_612, %dma_wait3A_625, %dma_wait3A_626] : memref<10x128x32xf32, #tpu.memory_space<vmem>> -> memref<1x128x32xf32, #tpu.memory_space<vmem>>
        %dma_wait3A_628 = tpu.memref_squeeze %dma_wait3A_627 : memref<1x128x32xf32, #tpu.memory_space<vmem>> -> memref<128x32xf32, #tpu.memory_space<vmem>>
        tpu.wait_dma2 semaphore(%arg18 : memref<!tpu.dma_semaphore, #tpu.memory_space<semaphore_mem>>) src(%dma_wait3A_628 : memref<128x32xf32, #tpu.memory_space<vmem>>) dst(%dma_wait3A_624 : memref<128x32xf32, #tpu.memory_space<hbm>>)
      } else {
      }
      %add3A_214 = arith.constant 8 : i32
      %add3A_215 = arith.addi %add3A_208, %add3A_214 : i32
      %lt3A_216 = arith.constant 50 : i32
      %lt3A_217 = arith.cmpi slt, %add3A_215, %lt3A_216 : i32
      %convert_element_type3A_218 = arith.extui %lt3A_217 : i1 to i32
      %cond3A_219 = arith.constant 0 : i32
      %cond3A_220 = arith.cmpi ne, %convert_element_type3A_218, %cond3A_219 : i32
      scf.if %cond3A_220 {
        %add3A_610 = arith.constant 8 : i32
        %add3A_611 = arith.addi %add3A_208, %add3A_610 : i32
        %dma_start3A_612 = arith.constant 9 : i32
        %dma_start3A_613 = arith.constant 0 : i32
        %dma_start3A_614 = arith.constant 0 : i32
        %dma_start3A_615 = tpu.memref_slice %arg16[%dma_start3A_612, %dma_start3A_613, %dma_start3A_614] : memref<10x128x32xf32, #tpu.memory_space<vmem>> -> memref<1x128x32xf32, #tpu.memory_space<vmem>>
        %dma_start3A_616 = tpu.memref_squeeze %dma_start3A_615 : memref<1x128x32xf32, #tpu.memory_space<vmem>> -> memref<128x32xf32, #tpu.memory_space<vmem>>
        %dma_start3A_617 = arith.constant 0 : i32
        %dma_start3A_618 = tpu.memref_slice %arg15[%add3A_611, %dma_start3A_617] : memref<50x128xi32, #tpu.memory_space<vmem>> -> memref<1x128xi32, #tpu.memory_space<vmem>>
        %dma_start3A_619 = tpu.memref_squeeze %dma_start3A_618 : memref<1x128xi32, #tpu.memory_space<vmem>> -> memref<128xi32, #tpu.memory_space<vmem>>
        %dma_start3A_620 = arith.constant 0 : i32
        %dma_start3A_621 = arith.constant 0 : i32
        %dma_start3A_622 = tpu.memref_slice %arg2[%dma_start3A_620, %dma_start3A_621] : memref<1000000x32xf32, #tpu.memory_space<hbm>> -> memref<1000000x32xf32, #tpu.memory_space<hbm>>
        tpu.enqueue_indirect_dma source(%dma_start3A_622 : memref<1000000x32xf32, #tpu.memory_space<hbm>>) target(%dma_start3A_616 : memref<128x32xf32, #tpu.memory_space<vmem>>) offsets(%dma_start3A_619 : memref<128xi32, #tpu.memory_space<vmem>>) semaphore(%arg17 : memref<!tpu.dma_semaphore, #tpu.memory_space<semaphore_mem>>)
      } else {
      }
      %dma_wait3A_221 = arith.constant 1 : i32
      %dma_wait3A_222 = arith.constant 0 : i32
      %dma_wait3A_223 = arith.constant 0 : i32
      %dma_wait3A_224 = tpu.memref_slice %arg16[%dma_wait3A_221, %dma_wait3A_222, %dma_wait3A_223] : memref<10x128x32xf32, #tpu.memory_space<vmem>> -> memref<1x128x32xf32, #tpu.memory_space<vmem>>
      %dma_wait3A_225 = tpu.memref_squeeze %dma_wait3A_224 : memref<1x128x32xf32, #tpu.memory_space<vmem>> -> memref<128x32xf32, #tpu.memory_space<vmem>>
      %dma_wait3A_226 = arith.constant 0 : i32
      %dma_wait3A_227 = tpu.memref_slice %arg15[%add3A_208, %dma_wait3A_226] : memref<50x128xi32, #tpu.memory_space<vmem>> -> memref<1x128xi32, #tpu.memory_space<vmem>>
      %dma_wait3A_228 = tpu.memref_squeeze %dma_wait3A_227 : memref<1x128xi32, #tpu.memory_space<vmem>> -> memref<128xi32, #tpu.memory_space<vmem>>
      %dma_wait3A_229 = arith.constant 0 : i32
      %dma_wait3A_230 = arith.constant 0 : i32
      %dma_wait3A_231 = tpu.memref_slice %arg2[%dma_wait3A_229, %dma_wait3A_230] : memref<1000000x32xf32, #tpu.memory_space<hbm>> -> memref<1000000x32xf32, #tpu.memory_space<hbm>>
      tpu.wait_indirect_dma semaphore(%arg17 : memref<!tpu.dma_semaphore, #tpu.memory_space<semaphore_mem>>) src(%dma_wait3A_231 : memref<1000000x32xf32, #tpu.memory_space<hbm>>) dst(%dma_wait3A_225 : memref<128x32xf32, #tpu.memory_space<vmem>>)
      %add3A_232 = arith.addi %mul3A_2, %add3A_208 : i32
      %dma_start3A_233 = arith.constant 1 : i32
      %dma_start3A_234 = arith.constant 0 : i32
      %dma_start3A_235 = arith.constant 0 : i32
      %dma_start3A_236 = tpu.memref_slice %arg16[%dma_start3A_233, %dma_start3A_234, %dma_start3A_235] : memref<10x128x32xf32, #tpu.memory_space<vmem>> -> memref<1x128x32xf32, #tpu.memory_space<vmem>>
      %dma_start3A_237 = tpu.memref_squeeze %dma_start3A_236 : memref<1x128x32xf32, #tpu.memory_space<vmem>> -> memref<128x32xf32, #tpu.memory_space<vmem>>
      %dma_start3A_238 = arith.constant 0 : i32
      %dma_start3A_239 = arith.constant 0 : i32
      %dma_start3A_240 = tpu.memref_slice %arg10[%add3A_232, %dma_start3A_238, %dma_start3A_239] : memref<1600x128x32xf32, #tpu.memory_space<hbm>> -> memref<1x128x32xf32, #tpu.memory_space<hbm>>
      %dma_start3A_241 = tpu.memref_squeeze %dma_start3A_240 : memref<1x128x32xf32, #tpu.memory_space<hbm>> -> memref<128x32xf32, #tpu.memory_space<hbm>>
      %dma_start3A_242 = arith.constant 0 : i32
      %dma_start3A_243 = arith.constant 0 : i32
      %dma_start3A_244 = tpu.memref_slice %arg10[%add3A_232, %dma_start3A_242, %dma_start3A_243] : memref<1600x128x32xf32, #tpu.memory_space<hbm>> -> memref<1x128x32xf32, #tpu.memory_space<hbm>>
      %dma_start3A_245 = tpu.memref_squeeze %dma_start3A_244 : memref<1x128x32xf32, #tpu.memory_space<hbm>> -> memref<128x32xf32, #tpu.memory_space<hbm>>
      %dma_start3A_246 = arith.constant 0 : i32
      %dma_start3A_247 = arith.constant 0 : i32
      %dma_start3A_248 = tpu.memref_slice %arg16[%dma_start3A_233, %dma_start3A_246, %dma_start3A_247] : memref<10x128x32xf32, #tpu.memory_space<vmem>> -> memref<1x128x32xf32, #tpu.memory_space<vmem>>
      %dma_start3A_249 = tpu.memref_squeeze %dma_start3A_248 : memref<1x128x32xf32, #tpu.memory_space<vmem>> -> memref<128x32xf32, #tpu.memory_space<vmem>>
      tpu.enqueue_dma source(%dma_start3A_249 : memref<128x32xf32, #tpu.memory_space<vmem>>) target(%dma_start3A_245 : memref<128x32xf32, #tpu.memory_space<hbm>>) target_semaphore(%arg18 : memref<!tpu.dma_semaphore, #tpu.memory_space<semaphore_mem>>)
      %mul3A_250 = arith.constant 10 : i32
      %mul3A_251 = arith.muli %add3A_163, %mul3A_250 : i32
      %add3A_252 = arith.constant 2 : i32
      %add3A_253 = arith.addi %mul3A_251, %add3A_252 : i32
      %ge3A_254 = arith.constant 2 : i32
      %ge3A_255 = arith.cmpi sge, %add3A_253, %ge3A_254 : i32
      %convert_element_type3A_256 = arith.extui %ge3A_255 : i1 to i32
      %cond3A_257 = arith.constant 0 : i32
      %cond3A_258 = arith.cmpi ne, %convert_element_type3A_256, %cond3A_257 : i32
      scf.if %cond3A_258 {
        %sub3A = arith.constant 2 : i32
        %sub3A_610 = arith.subi %add3A_253, %sub3A : i32
        %add3A_611 = arith.addi %mul3A_2, %sub3A_610 : i32
        %dma_wait3A_612 = arith.constant 0 : i32
        %dma_wait3A_613 = arith.constant 0 : i32
        %dma_wait3A_614 = arith.constant 0 : i32
        %dma_wait3A_615 = tpu.memref_slice %arg16[%dma_wait3A_612, %dma_wait3A_613, %dma_wait3A_614] : memref<10x128x32xf32, #tpu.memory_space<vmem>> -> memref<1x128x32xf32, #tpu.memory_space<vmem>>
        %dma_wait3A_616 = tpu.memref_squeeze %dma_wait3A_615 : memref<1x128x32xf32, #tpu.memory_space<vmem>> -> memref<128x32xf32, #tpu.memory_space<vmem>>
        %dma_wait3A_617 = arith.constant 0 : i32
        %dma_wait3A_618 = arith.constant 0 : i32
        %dma_wait3A_619 = tpu.memref_slice %arg10[%add3A_611, %dma_wait3A_617, %dma_wait3A_618] : memref<1600x128x32xf32, #tpu.memory_space<hbm>> -> memref<1x128x32xf32, #tpu.memory_space<hbm>>
        %dma_wait3A_620 = tpu.memref_squeeze %dma_wait3A_619 : memref<1x128x32xf32, #tpu.memory_space<hbm>> -> memref<128x32xf32, #tpu.memory_space<hbm>>
        %dma_wait3A_621 = arith.constant 0 : i32
        %dma_wait3A_622 = arith.constant 0 : i32
        %dma_wait3A_623 = tpu.memref_slice %arg10[%add3A_611, %dma_wait3A_621, %dma_wait3A_622] : memref<1600x128x32xf32, #tpu.memory_space<hbm>> -> memref<1x128x32xf32, #tpu.memory_space<hbm>>
        %dma_wait3A_624 = tpu.memref_squeeze %dma_wait3A_623 : memref<1x128x32xf32, #tpu.memory_space<hbm>> -> memref<128x32xf32, #tpu.memory_space<hbm>>
        %dma_wait3A_625 = arith.constant 0 : i32
        %dma_wait3A_626 = arith.constant 0 : i32
        %dma_wait3A_627 = tpu.memref_slice %arg16[%dma_wait3A_612, %dma_wait3A_625, %dma_wait3A_626] : memref<10x128x32xf32, #tpu.memory_space<vmem>> -> memref<1x128x32xf32, #tpu.memory_space<vmem>>
        %dma_wait3A_628 = tpu.memref_squeeze %dma_wait3A_627 : memref<1x128x32xf32, #tpu.memory_space<vmem>> -> memref<128x32xf32, #tpu.memory_space<vmem>>
        tpu.wait_dma2 semaphore(%arg18 : memref<!tpu.dma_semaphore, #tpu.memory_space<semaphore_mem>>) src(%dma_wait3A_628 : memref<128x32xf32, #tpu.memory_space<vmem>>) dst(%dma_wait3A_624 : memref<128x32xf32, #tpu.memory_space<hbm>>)
      } else {
      }
      %add3A_259 = arith.constant 8 : i32
      %add3A_260 = arith.addi %add3A_253, %add3A_259 : i32
      %lt3A_261 = arith.constant 50 : i32
      %lt3A_262 = arith.cmpi slt, %add3A_260, %lt3A_261 : i32
      %convert_element_type3A_263 = arith.extui %lt3A_262 : i1 to i32
      %cond3A_264 = arith.constant 0 : i32
      %cond3A_265 = arith.cmpi ne, %convert_element_type3A_263, %cond3A_264 : i32
      scf.if %cond3A_265 {
        %add3A_610 = arith.constant 8 : i32
        %add3A_611 = arith.addi %add3A_253, %add3A_610 : i32
        %dma_start3A_612 = arith.constant 0 : i32
        %dma_start3A_613 = arith.constant 0 : i32
        %dma_start3A_614 = arith.constant 0 : i32
        %dma_start3A_615 = tpu.memref_slice %arg16[%dma_start3A_612, %dma_start3A_613, %dma_start3A_614] : memref<10x128x32xf32, #tpu.memory_space<vmem>> -> memref<1x128x32xf32, #tpu.memory_space<vmem>>
        %dma_start3A_616 = tpu.memref_squeeze %dma_start3A_615 : memref<1x128x32xf32, #tpu.memory_space<vmem>> -> memref<128x32xf32, #tpu.memory_space<vmem>>
        %dma_start3A_617 = arith.constant 0 : i32
        %dma_start3A_618 = tpu.memref_slice %arg15[%add3A_611, %dma_start3A_617] : memref<50x128xi32, #tpu.memory_space<vmem>> -> memref<1x128xi32, #tpu.memory_space<vmem>>
        %dma_start3A_619 = tpu.memref_squeeze %dma_start3A_618 : memref<1x128xi32, #tpu.memory_space<vmem>> -> memref<128xi32, #tpu.memory_space<vmem>>
        %dma_start3A_620 = arith.constant 0 : i32
        %dma_start3A_621 = arith.constant 0 : i32
        %dma_start3A_622 = tpu.memref_slice %arg2[%dma_start3A_620, %dma_start3A_621] : memref<1000000x32xf32, #tpu.memory_space<hbm>> -> memref<1000000x32xf32, #tpu.memory_space<hbm>>
        tpu.enqueue_indirect_dma source(%dma_start3A_622 : memref<1000000x32xf32, #tpu.memory_space<hbm>>) target(%dma_start3A_616 : memref<128x32xf32, #tpu.memory_space<vmem>>) offsets(%dma_start3A_619 : memref<128xi32, #tpu.memory_space<vmem>>) semaphore(%arg17 : memref<!tpu.dma_semaphore, #tpu.memory_space<semaphore_mem>>)
      } else {
      }
      %dma_wait3A_266 = arith.constant 2 : i32
      %dma_wait3A_267 = arith.constant 0 : i32
      %dma_wait3A_268 = arith.constant 0 : i32
      %dma_wait3A_269 = tpu.memref_slice %arg16[%dma_wait3A_266, %dma_wait3A_267, %dma_wait3A_268] : memref<10x128x32xf32, #tpu.memory_space<vmem>> -> memref<1x128x32xf32, #tpu.memory_space<vmem>>
      %dma_wait3A_270 = tpu.memref_squeeze %dma_wait3A_269 : memref<1x128x32xf32, #tpu.memory_space<vmem>> -> memref<128x32xf32, #tpu.memory_space<vmem>>
      %dma_wait3A_271 = arith.constant 0 : i32
      %dma_wait3A_272 = tpu.memref_slice %arg15[%add3A_253, %dma_wait3A_271] : memref<50x128xi32, #tpu.memory_space<vmem>> -> memref<1x128xi32, #tpu.memory_space<vmem>>
      %dma_wait3A_273 = tpu.memref_squeeze %dma_wait3A_272 : memref<1x128xi32, #tpu.memory_space<vmem>> -> memref<128xi32, #tpu.memory_space<vmem>>
      %dma_wait3A_274 = arith.constant 0 : i32
      %dma_wait3A_275 = arith.constant 0 : i32
      %dma_wait3A_276 = tpu.memref_slice %arg2[%dma_wait3A_274, %dma_wait3A_275] : memref<1000000x32xf32, #tpu.memory_space<hbm>> -> memref<1000000x32xf32, #tpu.memory_space<hbm>>
      tpu.wait_indirect_dma semaphore(%arg17 : memref<!tpu.dma_semaphore, #tpu.memory_space<semaphore_mem>>) src(%dma_wait3A_276 : memref<1000000x32xf32, #tpu.memory_space<hbm>>) dst(%dma_wait3A_270 : memref<128x32xf32, #tpu.memory_space<vmem>>)
      %add3A_277 = arith.addi %mul3A_2, %add3A_253 : i32
      %dma_start3A_278 = arith.constant 2 : i32
      %dma_start3A_279 = arith.constant 0 : i32
      %dma_start3A_280 = arith.constant 0 : i32
      %dma_start3A_281 = tpu.memref_slice %arg16[%dma_start3A_278, %dma_start3A_279, %dma_start3A_280] : memref<10x128x32xf32, #tpu.memory_space<vmem>> -> memref<1x128x32xf32, #tpu.memory_space<vmem>>
      %dma_start3A_282 = tpu.memref_squeeze %dma_start3A_281 : memref<1x128x32xf32, #tpu.memory_space<vmem>> -> memref<128x32xf32, #tpu.memory_space<vmem>>
      %dma_start3A_283 = arith.constant 0 : i32
      %dma_start3A_284 = arith.constant 0 : i32
      %dma_start3A_285 = tpu.memref_slice %arg10[%add3A_277, %dma_start3A_283, %dma_start3A_284] : memref<1600x128x32xf32, #tpu.memory_space<hbm>> -> memref<1x128x32xf32, #tpu.memory_space<hbm>>
      %dma_start3A_286 = tpu.memref_squeeze %dma_start3A_285 : memref<1x128x32xf32, #tpu.memory_space<hbm>> -> memref<128x32xf32, #tpu.memory_space<hbm>>
      %dma_start3A_287 = arith.constant 0 : i32
      %dma_start3A_288 = arith.constant 0 : i32
      %dma_start3A_289 = tpu.memref_slice %arg10[%add3A_277, %dma_start3A_287, %dma_start3A_288] : memref<1600x128x32xf32, #tpu.memory_space<hbm>> -> memref<1x128x32xf32, #tpu.memory_space<hbm>>
      %dma_start3A_290 = tpu.memref_squeeze %dma_start3A_289 : memref<1x128x32xf32, #tpu.memory_space<hbm>> -> memref<128x32xf32, #tpu.memory_space<hbm>>
      %dma_start3A_291 = arith.constant 0 : i32
      %dma_start3A_292 = arith.constant 0 : i32
      %dma_start3A_293 = tpu.memref_slice %arg16[%dma_start3A_278, %dma_start3A_291, %dma_start3A_292] : memref<10x128x32xf32, #tpu.memory_space<vmem>> -> memref<1x128x32xf32, #tpu.memory_space<vmem>>
      %dma_start3A_294 = tpu.memref_squeeze %dma_start3A_293 : memref<1x128x32xf32, #tpu.memory_space<vmem>> -> memref<128x32xf32, #tpu.memory_space<vmem>>
      tpu.enqueue_dma source(%dma_start3A_294 : memref<128x32xf32, #tpu.memory_space<vmem>>) target(%dma_start3A_290 : memref<128x32xf32, #tpu.memory_space<hbm>>) target_semaphore(%arg18 : memref<!tpu.dma_semaphore, #tpu.memory_space<semaphore_mem>>)
      %mul3A_295 = arith.constant 10 : i32
      %mul3A_296 = arith.muli %add3A_163, %mul3A_295 : i32
      %add3A_297 = arith.constant 3 : i32
      %add3A_298 = arith.addi %mul3A_296, %add3A_297 : i32
      %ge3A_299 = arith.constant 2 : i32
      %ge3A_300 = arith.cmpi sge, %add3A_298, %ge3A_299 : i32
      %convert_element_type3A_301 = arith.extui %ge3A_300 : i1 to i32
      %cond3A_302 = arith.constant 0 : i32
      %cond3A_303 = arith.cmpi ne, %convert_element_type3A_301, %cond3A_302 : i32
      scf.if %cond3A_303 {
        %sub3A = arith.constant 2 : i32
        %sub3A_610 = arith.subi %add3A_298, %sub3A : i32
        %add3A_611 = arith.addi %mul3A_2, %sub3A_610 : i32
        %dma_wait3A_612 = arith.constant 1 : i32
        %dma_wait3A_613 = arith.constant 0 : i32
        %dma_wait3A_614 = arith.constant 0 : i32
        %dma_wait3A_615 = tpu.memref_slice %arg16[%dma_wait3A_612, %dma_wait3A_613, %dma_wait3A_614] : memref<10x128x32xf32, #tpu.memory_space<vmem>> -> memref<1x128x32xf32, #tpu.memory_space<vmem>>
        %dma_wait3A_616 = tpu.memref_squeeze %dma_wait3A_615 : memref<1x128x32xf32, #tpu.memory_space<vmem>> -> memref<128x32xf32, #tpu.memory_space<vmem>>
        %dma_wait3A_617 = arith.constant 0 : i32
        %dma_wait3A_618 = arith.constant 0 : i32
        %dma_wait3A_619 = tpu.memref_slice %arg10[%add3A_611, %dma_wait3A_617, %dma_wait3A_618] : memref<1600x128x32xf32, #tpu.memory_space<hbm>> -> memref<1x128x32xf32, #tpu.memory_space<hbm>>
        %dma_wait3A_620 = tpu.memref_squeeze %dma_wait3A_619 : memref<1x128x32xf32, #tpu.memory_space<hbm>> -> memref<128x32xf32, #tpu.memory_space<hbm>>
        %dma_wait3A_621 = arith.constant 0 : i32
        %dma_wait3A_622 = arith.constant 0 : i32
        %dma_wait3A_623 = tpu.memref_slice %arg10[%add3A_611, %dma_wait3A_621, %dma_wait3A_622] : memref<1600x128x32xf32, #tpu.memory_space<hbm>> -> memref<1x128x32xf32, #tpu.memory_space<hbm>>
        %dma_wait3A_624 = tpu.memref_squeeze %dma_wait3A_623 : memref<1x128x32xf32, #tpu.memory_space<hbm>> -> memref<128x32xf32, #tpu.memory_space<hbm>>
        %dma_wait3A_625 = arith.constant 0 : i32
        %dma_wait3A_626 = arith.constant 0 : i32
        %dma_wait3A_627 = tpu.memref_slice %arg16[%dma_wait3A_612, %dma_wait3A_625, %dma_wait3A_626] : memref<10x128x32xf32, #tpu.memory_space<vmem>> -> memref<1x128x32xf32, #tpu.memory_space<vmem>>
        %dma_wait3A_628 = tpu.memref_squeeze %dma_wait3A_627 : memref<1x128x32xf32, #tpu.memory_space<vmem>> -> memref<128x32xf32, #tpu.memory_space<vmem>>
        tpu.wait_dma2 semaphore(%arg18 : memref<!tpu.dma_semaphore, #tpu.memory_space<semaphore_mem>>) src(%dma_wait3A_628 : memref<128x32xf32, #tpu.memory_space<vmem>>) dst(%dma_wait3A_624 : memref<128x32xf32, #tpu.memory_space<hbm>>)
      } else {
      }
      %add3A_304 = arith.constant 8 : i32
      %add3A_305 = arith.addi %add3A_298, %add3A_304 : i32
      %lt3A_306 = arith.constant 50 : i32
      %lt3A_307 = arith.cmpi slt, %add3A_305, %lt3A_306 : i32
      %convert_element_type3A_308 = arith.extui %lt3A_307 : i1 to i32
      %cond3A_309 = arith.constant 0 : i32
      %cond3A_310 = arith.cmpi ne, %convert_element_type3A_308, %cond3A_309 : i32
      scf.if %cond3A_310 {
        %add3A_610 = arith.constant 8 : i32
        %add3A_611 = arith.addi %add3A_298, %add3A_610 : i32
        %dma_start3A_612 = arith.constant 1 : i32
        %dma_start3A_613 = arith.constant 0 : i32
        %dma_start3A_614 = arith.constant 0 : i32
        %dma_start3A_615 = tpu.memref_slice %arg16[%dma_start3A_612, %dma_start3A_613, %dma_start3A_614] : memref<10x128x32xf32, #tpu.memory_space<vmem>> -> memref<1x128x32xf32, #tpu.memory_space<vmem>>
        %dma_start3A_616 = tpu.memref_squeeze %dma_start3A_615 : memref<1x128x32xf32, #tpu.memory_space<vmem>> -> memref<128x32xf32, #tpu.memory_space<vmem>>
        %dma_start3A_617 = arith.constant 0 : i32
        %dma_start3A_618 = tpu.memref_slice %arg15[%add3A_611, %dma_start3A_617] : memref<50x128xi32, #tpu.memory_space<vmem>> -> memref<1x128xi32, #tpu.memory_space<vmem>>
        %dma_start3A_619 = tpu.memref_squeeze %dma_start3A_618 : memref<1x128xi32, #tpu.memory_space<vmem>> -> memref<128xi32, #tpu.memory_space<vmem>>
        %dma_start3A_620 = arith.constant 0 : i32
        %dma_start3A_621 = arith.constant 0 : i32
        %dma_start3A_622 = tpu.memref_slice %arg2[%dma_start3A_620, %dma_start3A_621] : memref<1000000x32xf32, #tpu.memory_space<hbm>> -> memref<1000000x32xf32, #tpu.memory_space<hbm>>
        tpu.enqueue_indirect_dma source(%dma_start3A_622 : memref<1000000x32xf32, #tpu.memory_space<hbm>>) target(%dma_start3A_616 : memref<128x32xf32, #tpu.memory_space<vmem>>) offsets(%dma_start3A_619 : memref<128xi32, #tpu.memory_space<vmem>>) semaphore(%arg17 : memref<!tpu.dma_semaphore, #tpu.memory_space<semaphore_mem>>)
      } else {
      }
      %dma_wait3A_311 = arith.constant 3 : i32
      %dma_wait3A_312 = arith.constant 0 : i32
      %dma_wait3A_313 = arith.constant 0 : i32
      %dma_wait3A_314 = tpu.memref_slice %arg16[%dma_wait3A_311, %dma_wait3A_312, %dma_wait3A_313] : memref<10x128x32xf32, #tpu.memory_space<vmem>> -> memref<1x128x32xf32, #tpu.memory_space<vmem>>
      %dma_wait3A_315 = tpu.memref_squeeze %dma_wait3A_314 : memref<1x128x32xf32, #tpu.memory_space<vmem>> -> memref<128x32xf32, #tpu.memory_space<vmem>>
      %dma_wait3A_316 = arith.constant 0 : i32
      %dma_wait3A_317 = tpu.memref_slice %arg15[%add3A_298, %dma_wait3A_316] : memref<50x128xi32, #tpu.memory_space<vmem>> -> memref<1x128xi32, #tpu.memory_space<vmem>>
      %dma_wait3A_318 = tpu.memref_squeeze %dma_wait3A_317 : memref<1x128xi32, #tpu.memory_space<vmem>> -> memref<128xi32, #tpu.memory_space<vmem>>
      %dma_wait3A_319 = arith.constant 0 : i32
      %dma_wait3A_320 = arith.constant 0 : i32
      %dma_wait3A_321 = tpu.memref_slice %arg2[%dma_wait3A_319, %dma_wait3A_320] : memref<1000000x32xf32, #tpu.memory_space<hbm>> -> memref<1000000x32xf32, #tpu.memory_space<hbm>>
      tpu.wait_indirect_dma semaphore(%arg17 : memref<!tpu.dma_semaphore, #tpu.memory_space<semaphore_mem>>) src(%dma_wait3A_321 : memref<1000000x32xf32, #tpu.memory_space<hbm>>) dst(%dma_wait3A_315 : memref<128x32xf32, #tpu.memory_space<vmem>>)
      %add3A_322 = arith.addi %mul3A_2, %add3A_298 : i32
      %dma_start3A_323 = arith.constant 3 : i32
      %dma_start3A_324 = arith.constant 0 : i32
      %dma_start3A_325 = arith.constant 0 : i32
      %dma_start3A_326 = tpu.memref_slice %arg16[%dma_start3A_323, %dma_start3A_324, %dma_start3A_325] : memref<10x128x32xf32, #tpu.memory_space<vmem>> -> memref<1x128x32xf32, #tpu.memory_space<vmem>>
      %dma_start3A_327 = tpu.memref_squeeze %dma_start3A_326 : memref<1x128x32xf32, #tpu.memory_space<vmem>> -> memref<128x32xf32, #tpu.memory_space<vmem>>
      %dma_start3A_328 = arith.constant 0 : i32
      %dma_start3A_329 = arith.constant 0 : i32
      %dma_start3A_330 = tpu.memref_slice %arg10[%add3A_322, %dma_start3A_328, %dma_start3A_329] : memref<1600x128x32xf32, #tpu.memory_space<hbm>> -> memref<1x128x32xf32, #tpu.memory_space<hbm>>
      %dma_start3A_331 = tpu.memref_squeeze %dma_start3A_330 : memref<1x128x32xf32, #tpu.memory_space<hbm>> -> memref<128x32xf32, #tpu.memory_space<hbm>>
      %dma_start3A_332 = arith.constant 0 : i32
      %dma_start3A_333 = arith.constant 0 : i32
      %dma_start3A_334 = tpu.memref_slice %arg10[%add3A_322, %dma_start3A_332, %dma_start3A_333] : memref<1600x128x32xf32, #tpu.memory_space<hbm>> -> memref<1x128x32xf32, #tpu.memory_space<hbm>>
      %dma_start3A_335 = tpu.memref_squeeze %dma_start3A_334 : memref<1x128x32xf32, #tpu.memory_space<hbm>> -> memref<128x32xf32, #tpu.memory_space<hbm>>
      %dma_start3A_336 = arith.constant 0 : i32
      %dma_start3A_337 = arith.constant 0 : i32
      %dma_start3A_338 = tpu.memref_slice %arg16[%dma_start3A_323, %dma_start3A_336, %dma_start3A_337] : memref<10x128x32xf32, #tpu.memory_space<vmem>> -> memref<1x128x32xf32, #tpu.memory_space<vmem>>
      %dma_start3A_339 = tpu.memref_squeeze %dma_start3A_338 : memref<1x128x32xf32, #tpu.memory_space<vmem>> -> memref<128x32xf32, #tpu.memory_space<vmem>>
      tpu.enqueue_dma source(%dma_start3A_339 : memref<128x32xf32, #tpu.memory_space<vmem>>) target(%dma_start3A_335 : memref<128x32xf32, #tpu.memory_space<hbm>>) target_semaphore(%arg18 : memref<!tpu.dma_semaphore, #tpu.memory_space<semaphore_mem>>)
      %mul3A_340 = arith.constant 10 : i32
      %mul3A_341 = arith.muli %add3A_163, %mul3A_340 : i32
      %add3A_342 = arith.constant 4 : i32
      %add3A_343 = arith.addi %mul3A_341, %add3A_342 : i32
      %ge3A_344 = arith.constant 2 : i32
      %ge3A_345 = arith.cmpi sge, %add3A_343, %ge3A_344 : i32
      %convert_element_type3A_346 = arith.extui %ge3A_345 : i1 to i32
      %cond3A_347 = arith.constant 0 : i32
      %cond3A_348 = arith.cmpi ne, %convert_element_type3A_346, %cond3A_347 : i32
      scf.if %cond3A_348 {
        %sub3A = arith.constant 2 : i32
        %sub3A_610 = arith.subi %add3A_343, %sub3A : i32
        %add3A_611 = arith.addi %mul3A_2, %sub3A_610 : i32
        %dma_wait3A_612 = arith.constant 2 : i32
        %dma_wait3A_613 = arith.constant 0 : i32
        %dma_wait3A_614 = arith.constant 0 : i32
        %dma_wait3A_615 = tpu.memref_slice %arg16[%dma_wait3A_612, %dma_wait3A_613, %dma_wait3A_614] : memref<10x128x32xf32, #tpu.memory_space<vmem>> -> memref<1x128x32xf32, #tpu.memory_space<vmem>>
        %dma_wait3A_616 = tpu.memref_squeeze %dma_wait3A_615 : memref<1x128x32xf32, #tpu.memory_space<vmem>> -> memref<128x32xf32, #tpu.memory_space<vmem>>
        %dma_wait3A_617 = arith.constant 0 : i32
        %dma_wait3A_618 = arith.constant 0 : i32
        %dma_wait3A_619 = tpu.memref_slice %arg10[%add3A_611, %dma_wait3A_617, %dma_wait3A_618] : memref<1600x128x32xf32, #tpu.memory_space<hbm>> -> memref<1x128x32xf32, #tpu.memory_space<hbm>>
        %dma_wait3A_620 = tpu.memref_squeeze %dma_wait3A_619 : memref<1x128x32xf32, #tpu.memory_space<hbm>> -> memref<128x32xf32, #tpu.memory_space<hbm>>
        %dma_wait3A_621 = arith.constant 0 : i32
        %dma_wait3A_622 = arith.constant 0 : i32
        %dma_wait3A_623 = tpu.memref_slice %arg10[%add3A_611, %dma_wait3A_621, %dma_wait3A_622] : memref<1600x128x32xf32, #tpu.memory_space<hbm>> -> memref<1x128x32xf32, #tpu.memory_space<hbm>>
        %dma_wait3A_624 = tpu.memref_squeeze %dma_wait3A_623 : memref<1x128x32xf32, #tpu.memory_space<hbm>> -> memref<128x32xf32, #tpu.memory_space<hbm>>
        %dma_wait3A_625 = arith.constant 0 : i32
        %dma_wait3A_626 = arith.constant 0 : i32
        %dma_wait3A_627 = tpu.memref_slice %arg16[%dma_wait3A_612, %dma_wait3A_625, %dma_wait3A_626] : memref<10x128x32xf32, #tpu.memory_space<vmem>> -> memref<1x128x32xf32, #tpu.memory_space<vmem>>
        %dma_wait3A_628 = tpu.memref_squeeze %dma_wait3A_627 : memref<1x128x32xf32, #tpu.memory_space<vmem>> -> memref<128x32xf32, #tpu.memory_space<vmem>>
        tpu.wait_dma2 semaphore(%arg18 : memref<!tpu.dma_semaphore, #tpu.memory_space<semaphore_mem>>) src(%dma_wait3A_628 : memref<128x32xf32, #tpu.memory_space<vmem>>) dst(%dma_wait3A_624 : memref<128x32xf32, #tpu.memory_space<hbm>>)
      } else {
      }
      %add3A_349 = arith.constant 8 : i32
      %add3A_350 = arith.addi %add3A_343, %add3A_349 : i32
      %lt3A_351 = arith.constant 50 : i32
      %lt3A_352 = arith.cmpi slt, %add3A_350, %lt3A_351 : i32
      %convert_element_type3A_353 = arith.extui %lt3A_352 : i1 to i32
      %cond3A_354 = arith.constant 0 : i32
      %cond3A_355 = arith.cmpi ne, %convert_element_type3A_353, %cond3A_354 : i32
      scf.if %cond3A_355 {
        %add3A_610 = arith.constant 8 : i32
        %add3A_611 = arith.addi %add3A_343, %add3A_610 : i32
        %dma_start3A_612 = arith.constant 2 : i32
        %dma_start3A_613 = arith.constant 0 : i32
        %dma_start3A_614 = arith.constant 0 : i32
        %dma_start3A_615 = tpu.memref_slice %arg16[%dma_start3A_612, %dma_start3A_613, %dma_start3A_614] : memref<10x128x32xf32, #tpu.memory_space<vmem>> -> memref<1x128x32xf32, #tpu.memory_space<vmem>>
        %dma_start3A_616 = tpu.memref_squeeze %dma_start3A_615 : memref<1x128x32xf32, #tpu.memory_space<vmem>> -> memref<128x32xf32, #tpu.memory_space<vmem>>
        %dma_start3A_617 = arith.constant 0 : i32
        %dma_start3A_618 = tpu.memref_slice %arg15[%add3A_611, %dma_start3A_617] : memref<50x128xi32, #tpu.memory_space<vmem>> -> memref<1x128xi32, #tpu.memory_space<vmem>>
        %dma_start3A_619 = tpu.memref_squeeze %dma_start3A_618 : memref<1x128xi32, #tpu.memory_space<vmem>> -> memref<128xi32, #tpu.memory_space<vmem>>
        %dma_start3A_620 = arith.constant 0 : i32
        %dma_start3A_621 = arith.constant 0 : i32
        %dma_start3A_622 = tpu.memref_slice %arg2[%dma_start3A_620, %dma_start3A_621] : memref<1000000x32xf32, #tpu.memory_space<hbm>> -> memref<1000000x32xf32, #tpu.memory_space<hbm>>
        tpu.enqueue_indirect_dma source(%dma_start3A_622 : memref<1000000x32xf32, #tpu.memory_space<hbm>>) target(%dma_start3A_616 : memref<128x32xf32, #tpu.memory_space<vmem>>) offsets(%dma_start3A_619 : memref<128xi32, #tpu.memory_space<vmem>>) semaphore(%arg17 : memref<!tpu.dma_semaphore, #tpu.memory_space<semaphore_mem>>)
      } else {
      }
      %dma_wait3A_356 = arith.constant 4 : i32
      %dma_wait3A_357 = arith.constant 0 : i32
      %dma_wait3A_358 = arith.constant 0 : i32
      %dma_wait3A_359 = tpu.memref_slice %arg16[%dma_wait3A_356, %dma_wait3A_357, %dma_wait3A_358] : memref<10x128x32xf32, #tpu.memory_space<vmem>> -> memref<1x128x32xf32, #tpu.memory_space<vmem>>
      %dma_wait3A_360 = tpu.memref_squeeze %dma_wait3A_359 : memref<1x128x32xf32, #tpu.memory_space<vmem>> -> memref<128x32xf32, #tpu.memory_space<vmem>>
      %dma_wait3A_361 = arith.constant 0 : i32
      %dma_wait3A_362 = tpu.memref_slice %arg15[%add3A_343, %dma_wait3A_361] : memref<50x128xi32, #tpu.memory_space<vmem>> -> memref<1x128xi32, #tpu.memory_space<vmem>>
      %dma_wait3A_363 = tpu.memref_squeeze %dma_wait3A_362 : memref<1x128xi32, #tpu.memory_space<vmem>> -> memref<128xi32, #tpu.memory_space<vmem>>
      %dma_wait3A_364 = arith.constant 0 : i32
      %dma_wait3A_365 = arith.constant 0 : i32
      %dma_wait3A_366 = tpu.memref_slice %arg2[%dma_wait3A_364, %dma_wait3A_365] : memref<1000000x32xf32, #tpu.memory_space<hbm>> -> memref<1000000x32xf32, #tpu.memory_space<hbm>>
      tpu.wait_indirect_dma semaphore(%arg17 : memref<!tpu.dma_semaphore, #tpu.memory_space<semaphore_mem>>) src(%dma_wait3A_366 : memref<1000000x32xf32, #tpu.memory_space<hbm>>) dst(%dma_wait3A_360 : memref<128x32xf32, #tpu.memory_space<vmem>>)
      %add3A_367 = arith.addi %mul3A_2, %add3A_343 : i32
      %dma_start3A_368 = arith.constant 4 : i32
      %dma_start3A_369 = arith.constant 0 : i32
      %dma_start3A_370 = arith.constant 0 : i32
      %dma_start3A_371 = tpu.memref_slice %arg16[%dma_start3A_368, %dma_start3A_369, %dma_start3A_370] : memref<10x128x32xf32, #tpu.memory_space<vmem>> -> memref<1x128x32xf32, #tpu.memory_space<vmem>>
      %dma_start3A_372 = tpu.memref_squeeze %dma_start3A_371 : memref<1x128x32xf32, #tpu.memory_space<vmem>> -> memref<128x32xf32, #tpu.memory_space<vmem>>
      %dma_start3A_373 = arith.constant 0 : i32
      %dma_start3A_374 = arith.constant 0 : i32
      %dma_start3A_375 = tpu.memref_slice %arg10[%add3A_367, %dma_start3A_373, %dma_start3A_374] : memref<1600x128x32xf32, #tpu.memory_space<hbm>> -> memref<1x128x32xf32, #tpu.memory_space<hbm>>
      %dma_start3A_376 = tpu.memref_squeeze %dma_start3A_375 : memref<1x128x32xf32, #tpu.memory_space<hbm>> -> memref<128x32xf32, #tpu.memory_space<hbm>>
      %dma_start3A_377 = arith.constant 0 : i32
      %dma_start3A_378 = arith.constant 0 : i32
      %dma_start3A_379 = tpu.memref_slice %arg10[%add3A_367, %dma_start3A_377, %dma_start3A_378] : memref<1600x128x32xf32, #tpu.memory_space<hbm>> -> memref<1x128x32xf32, #tpu.memory_space<hbm>>
      %dma_start3A_380 = tpu.memref_squeeze %dma_start3A_379 : memref<1x128x32xf32, #tpu.memory_space<hbm>> -> memref<128x32xf32, #tpu.memory_space<hbm>>
      %dma_start3A_381 = arith.constant 0 : i32
      %dma_start3A_382 = arith.constant 0 : i32
      %dma_start3A_383 = tpu.memref_slice %arg16[%dma_start3A_368, %dma_start3A_381, %dma_start3A_382] : memref<10x128x32xf32, #tpu.memory_space<vmem>> -> memref<1x128x32xf32, #tpu.memory_space<vmem>>
      %dma_start3A_384 = tpu.memref_squeeze %dma_start3A_383 : memref<1x128x32xf32, #tpu.memory_space<vmem>> -> memref<128x32xf32, #tpu.memory_space<vmem>>
      tpu.enqueue_dma source(%dma_start3A_384 : memref<128x32xf32, #tpu.memory_space<vmem>>) target(%dma_start3A_380 : memref<128x32xf32, #tpu.memory_space<hbm>>) target_semaphore(%arg18 : memref<!tpu.dma_semaphore, #tpu.memory_space<semaphore_mem>>)
      %mul3A_385 = arith.constant 10 : i32
      %mul3A_386 = arith.muli %add3A_163, %mul3A_385 : i32
      %add3A_387 = arith.constant 5 : i32
      %add3A_388 = arith.addi %mul3A_386, %add3A_387 : i32
      %ge3A_389 = arith.constant 2 : i32
      %ge3A_390 = arith.cmpi sge, %add3A_388, %ge3A_389 : i32
      %convert_element_type3A_391 = arith.extui %ge3A_390 : i1 to i32
      %cond3A_392 = arith.constant 0 : i32
      %cond3A_393 = arith.cmpi ne, %convert_element_type3A_391, %cond3A_392 : i32
      scf.if %cond3A_393 {
        %sub3A = arith.constant 2 : i32
        %sub3A_610 = arith.subi %add3A_388, %sub3A : i32
        %add3A_611 = arith.addi %mul3A_2, %sub3A_610 : i32
        %dma_wait3A_612 = arith.constant 3 : i32
        %dma_wait3A_613 = arith.constant 0 : i32
        %dma_wait3A_614 = arith.constant 0 : i32
        %dma_wait3A_615 = tpu.memref_slice %arg16[%dma_wait3A_612, %dma_wait3A_613, %dma_wait3A_614] : memref<10x128x32xf32, #tpu.memory_space<vmem>> -> memref<1x128x32xf32, #tpu.memory_space<vmem>>
        %dma_wait3A_616 = tpu.memref_squeeze %dma_wait3A_615 : memref<1x128x32xf32, #tpu.memory_space<vmem>> -> memref<128x32xf32, #tpu.memory_space<vmem>>
        %dma_wait3A_617 = arith.constant 0 : i32
        %dma_wait3A_618 = arith.constant 0 : i32
        %dma_wait3A_619 = tpu.memref_slice %arg10[%add3A_611, %dma_wait3A_617, %dma_wait3A_618] : memref<1600x128x32xf32, #tpu.memory_space<hbm>> -> memref<1x128x32xf32, #tpu.memory_space<hbm>>
        %dma_wait3A_620 = tpu.memref_squeeze %dma_wait3A_619 : memref<1x128x32xf32, #tpu.memory_space<hbm>> -> memref<128x32xf32, #tpu.memory_space<hbm>>
        %dma_wait3A_621 = arith.constant 0 : i32
        %dma_wait3A_622 = arith.constant 0 : i32
        %dma_wait3A_623 = tpu.memref_slice %arg10[%add3A_611, %dma_wait3A_621, %dma_wait3A_622] : memref<1600x128x32xf32, #tpu.memory_space<hbm>> -> memref<1x128x32xf32, #tpu.memory_space<hbm>>
        %dma_wait3A_624 = tpu.memref_squeeze %dma_wait3A_623 : memref<1x128x32xf32, #tpu.memory_space<hbm>> -> memref<128x32xf32, #tpu.memory_space<hbm>>
        %dma_wait3A_625 = arith.constant 0 : i32
        %dma_wait3A_626 = arith.constant 0 : i32
        %dma_wait3A_627 = tpu.memref_slice %arg16[%dma_wait3A_612, %dma_wait3A_625, %dma_wait3A_626] : memref<10x128x32xf32, #tpu.memory_space<vmem>> -> memref<1x128x32xf32, #tpu.memory_space<vmem>>
        %dma_wait3A_628 = tpu.memref_squeeze %dma_wait3A_627 : memref<1x128x32xf32, #tpu.memory_space<vmem>> -> memref<128x32xf32, #tpu.memory_space<vmem>>
        tpu.wait_dma2 semaphore(%arg18 : memref<!tpu.dma_semaphore, #tpu.memory_space<semaphore_mem>>) src(%dma_wait3A_628 : memref<128x32xf32, #tpu.memory_space<vmem>>) dst(%dma_wait3A_624 : memref<128x32xf32, #tpu.memory_space<hbm>>)
      } else {
      }
      %add3A_394 = arith.constant 8 : i32
      %add3A_395 = arith.addi %add3A_388, %add3A_394 : i32
      %lt3A_396 = arith.constant 50 : i32
      %lt3A_397 = arith.cmpi slt, %add3A_395, %lt3A_396 : i32
      %convert_element_type3A_398 = arith.extui %lt3A_397 : i1 to i32
      %cond3A_399 = arith.constant 0 : i32
      %cond3A_400 = arith.cmpi ne, %convert_element_type3A_398, %cond3A_399 : i32
      scf.if %cond3A_400 {
        %add3A_610 = arith.constant 8 : i32
        %add3A_611 = arith.addi %add3A_388, %add3A_610 : i32
        %dma_start3A_612 = arith.constant 3 : i32
        %dma_start3A_613 = arith.constant 0 : i32
        %dma_start3A_614 = arith.constant 0 : i32
        %dma_start3A_615 = tpu.memref_slice %arg16[%dma_start3A_612, %dma_start3A_613, %dma_start3A_614] : memref<10x128x32xf32, #tpu.memory_space<vmem>> -> memref<1x128x32xf32, #tpu.memory_space<vmem>>
        %dma_start3A_616 = tpu.memref_squeeze %dma_start3A_615 : memref<1x128x32xf32, #tpu.memory_space<vmem>> -> memref<128x32xf32, #tpu.memory_space<vmem>>
        %dma_start3A_617 = arith.constant 0 : i32
        %dma_start3A_618 = tpu.memref_slice %arg15[%add3A_611, %dma_start3A_617] : memref<50x128xi32, #tpu.memory_space<vmem>> -> memref<1x128xi32, #tpu.memory_space<vmem>>
        %dma_start3A_619 = tpu.memref_squeeze %dma_start3A_618 : memref<1x128xi32, #tpu.memory_space<vmem>> -> memref<128xi32, #tpu.memory_space<vmem>>
        %dma_start3A_620 = arith.constant 0 : i32
        %dma_start3A_621 = arith.constant 0 : i32
        %dma_start3A_622 = tpu.memref_slice %arg2[%dma_start3A_620, %dma_start3A_621] : memref<1000000x32xf32, #tpu.memory_space<hbm>> -> memref<1000000x32xf32, #tpu.memory_space<hbm>>
        tpu.enqueue_indirect_dma source(%dma_start3A_622 : memref<1000000x32xf32, #tpu.memory_space<hbm>>) target(%dma_start3A_616 : memref<128x32xf32, #tpu.memory_space<vmem>>) offsets(%dma_start3A_619 : memref<128xi32, #tpu.memory_space<vmem>>) semaphore(%arg17 : memref<!tpu.dma_semaphore, #tpu.memory_space<semaphore_mem>>)
      } else {
      }
      %dma_wait3A_401 = arith.constant 5 : i32
      %dma_wait3A_402 = arith.constant 0 : i32
      %dma_wait3A_403 = arith.constant 0 : i32
      %dma_wait3A_404 = tpu.memref_slice %arg16[%dma_wait3A_401, %dma_wait3A_402, %dma_wait3A_403] : memref<10x128x32xf32, #tpu.memory_space<vmem>> -> memref<1x128x32xf32, #tpu.memory_space<vmem>>
      %dma_wait3A_405 = tpu.memref_squeeze %dma_wait3A_404 : memref<1x128x32xf32, #tpu.memory_space<vmem>> -> memref<128x32xf32, #tpu.memory_space<vmem>>
      %dma_wait3A_406 = arith.constant 0 : i32
      %dma_wait3A_407 = tpu.memref_slice %arg15[%add3A_388, %dma_wait3A_406] : memref<50x128xi32, #tpu.memory_space<vmem>> -> memref<1x128xi32, #tpu.memory_space<vmem>>
      %dma_wait3A_408 = tpu.memref_squeeze %dma_wait3A_407 : memref<1x128xi32, #tpu.memory_space<vmem>> -> memref<128xi32, #tpu.memory_space<vmem>>
      %dma_wait3A_409 = arith.constant 0 : i32
      %dma_wait3A_410 = arith.constant 0 : i32
      %dma_wait3A_411 = tpu.memref_slice %arg2[%dma_wait3A_409, %dma_wait3A_410] : memref<1000000x32xf32, #tpu.memory_space<hbm>> -> memref<1000000x32xf32, #tpu.memory_space<hbm>>
      tpu.wait_indirect_dma semaphore(%arg17 : memref<!tpu.dma_semaphore, #tpu.memory_space<semaphore_mem>>) src(%dma_wait3A_411 : memref<1000000x32xf32, #tpu.memory_space<hbm>>) dst(%dma_wait3A_405 : memref<128x32xf32, #tpu.memory_space<vmem>>)
      %add3A_412 = arith.addi %mul3A_2, %add3A_388 : i32
      %dma_start3A_413 = arith.constant 5 : i32
      %dma_start3A_414 = arith.constant 0 : i32
      %dma_start3A_415 = arith.constant 0 : i32
      %dma_start3A_416 = tpu.memref_slice %arg16[%dma_start3A_413, %dma_start3A_414, %dma_start3A_415] : memref<10x128x32xf32, #tpu.memory_space<vmem>> -> memref<1x128x32xf32, #tpu.memory_space<vmem>>
      %dma_start3A_417 = tpu.memref_squeeze %dma_start3A_416 : memref<1x128x32xf32, #tpu.memory_space<vmem>> -> memref<128x32xf32, #tpu.memory_space<vmem>>
      %dma_start3A_418 = arith.constant 0 : i32
      %dma_start3A_419 = arith.constant 0 : i32
      %dma_start3A_420 = tpu.memref_slice %arg10[%add3A_412, %dma_start3A_418, %dma_start3A_419] : memref<1600x128x32xf32, #tpu.memory_space<hbm>> -> memref<1x128x32xf32, #tpu.memory_space<hbm>>
      %dma_start3A_421 = tpu.memref_squeeze %dma_start3A_420 : memref<1x128x32xf32, #tpu.memory_space<hbm>> -> memref<128x32xf32, #tpu.memory_space<hbm>>
      %dma_start3A_422 = arith.constant 0 : i32
      %dma_start3A_423 = arith.constant 0 : i32
      %dma_start3A_424 = tpu.memref_slice %arg10[%add3A_412, %dma_start3A_422, %dma_start3A_423] : memref<1600x128x32xf32, #tpu.memory_space<hbm>> -> memref<1x128x32xf32, #tpu.memory_space<hbm>>
      %dma_start3A_425 = tpu.memref_squeeze %dma_start3A_424 : memref<1x128x32xf32, #tpu.memory_space<hbm>> -> memref<128x32xf32, #tpu.memory_space<hbm>>
      %dma_start3A_426 = arith.constant 0 : i32
      %dma_start3A_427 = arith.constant 0 : i32
      %dma_start3A_428 = tpu.memref_slice %arg16[%dma_start3A_413, %dma_start3A_426, %dma_start3A_427] : memref<10x128x32xf32, #tpu.memory_space<vmem>> -> memref<1x128x32xf32, #tpu.memory_space<vmem>>
      %dma_start3A_429 = tpu.memref_squeeze %dma_start3A_428 : memref<1x128x32xf32, #tpu.memory_space<vmem>> -> memref<128x32xf32, #tpu.memory_space<vmem>>
      tpu.enqueue_dma source(%dma_start3A_429 : memref<128x32xf32, #tpu.memory_space<vmem>>) target(%dma_start3A_425 : memref<128x32xf32, #tpu.memory_space<hbm>>) target_semaphore(%arg18 : memref<!tpu.dma_semaphore, #tpu.memory_space<semaphore_mem>>)
      %mul3A_430 = arith.constant 10 : i32
      %mul3A_431 = arith.muli %add3A_163, %mul3A_430 : i32
      %add3A_432 = arith.constant 6 : i32
      %add3A_433 = arith.addi %mul3A_431, %add3A_432 : i32
      %ge3A_434 = arith.constant 2 : i32
      %ge3A_435 = arith.cmpi sge, %add3A_433, %ge3A_434 : i32
      %convert_element_type3A_436 = arith.extui %ge3A_435 : i1 to i32
      %cond3A_437 = arith.constant 0 : i32
      %cond3A_438 = arith.cmpi ne, %convert_element_type3A_436, %cond3A_437 : i32
      scf.if %cond3A_438 {
        %sub3A = arith.constant 2 : i32
        %sub3A_610 = arith.subi %add3A_433, %sub3A : i32
        %add3A_611 = arith.addi %mul3A_2, %sub3A_610 : i32
        %dma_wait3A_612 = arith.constant 4 : i32
        %dma_wait3A_613 = arith.constant 0 : i32
        %dma_wait3A_614 = arith.constant 0 : i32
        %dma_wait3A_615 = tpu.memref_slice %arg16[%dma_wait3A_612, %dma_wait3A_613, %dma_wait3A_614] : memref<10x128x32xf32, #tpu.memory_space<vmem>> -> memref<1x128x32xf32, #tpu.memory_space<vmem>>
        %dma_wait3A_616 = tpu.memref_squeeze %dma_wait3A_615 : memref<1x128x32xf32, #tpu.memory_space<vmem>> -> memref<128x32xf32, #tpu.memory_space<vmem>>
        %dma_wait3A_617 = arith.constant 0 : i32
        %dma_wait3A_618 = arith.constant 0 : i32
        %dma_wait3A_619 = tpu.memref_slice %arg10[%add3A_611, %dma_wait3A_617, %dma_wait3A_618] : memref<1600x128x32xf32, #tpu.memory_space<hbm>> -> memref<1x128x32xf32, #tpu.memory_space<hbm>>
        %dma_wait3A_620 = tpu.memref_squeeze %dma_wait3A_619 : memref<1x128x32xf32, #tpu.memory_space<hbm>> -> memref<128x32xf32, #tpu.memory_space<hbm>>
        %dma_wait3A_621 = arith.constant 0 : i32
        %dma_wait3A_622 = arith.constant 0 : i32
        %dma_wait3A_623 = tpu.memref_slice %arg10[%add3A_611, %dma_wait3A_621, %dma_wait3A_622] : memref<1600x128x32xf32, #tpu.memory_space<hbm>> -> memref<1x128x32xf32, #tpu.memory_space<hbm>>
        %dma_wait3A_624 = tpu.memref_squeeze %dma_wait3A_623 : memref<1x128x32xf32, #tpu.memory_space<hbm>> -> memref<128x32xf32, #tpu.memory_space<hbm>>
        %dma_wait3A_625 = arith.constant 0 : i32
        %dma_wait3A_626 = arith.constant 0 : i32
        %dma_wait3A_627 = tpu.memref_slice %arg16[%dma_wait3A_612, %dma_wait3A_625, %dma_wait3A_626] : memref<10x128x32xf32, #tpu.memory_space<vmem>> -> memref<1x128x32xf32, #tpu.memory_space<vmem>>
        %dma_wait3A_628 = tpu.memref_squeeze %dma_wait3A_627 : memref<1x128x32xf32, #tpu.memory_space<vmem>> -> memref<128x32xf32, #tpu.memory_space<vmem>>
        tpu.wait_dma2 semaphore(%arg18 : memref<!tpu.dma_semaphore, #tpu.memory_space<semaphore_mem>>) src(%dma_wait3A_628 : memref<128x32xf32, #tpu.memory_space<vmem>>) dst(%dma_wait3A_624 : memref<128x32xf32, #tpu.memory_space<hbm>>)
      } else {
      }
      %add3A_439 = arith.constant 8 : i32
      %add3A_440 = arith.addi %add3A_433, %add3A_439 : i32
      %lt3A_441 = arith.constant 50 : i32
      %lt3A_442 = arith.cmpi slt, %add3A_440, %lt3A_441 : i32
      %convert_element_type3A_443 = arith.extui %lt3A_442 : i1 to i32
      %cond3A_444 = arith.constant 0 : i32
      %cond3A_445 = arith.cmpi ne, %convert_element_type3A_443, %cond3A_444 : i32
      scf.if %cond3A_445 {
        %add3A_610 = arith.constant 8 : i32
        %add3A_611 = arith.addi %add3A_433, %add3A_610 : i32
        %dma_start3A_612 = arith.constant 4 : i32
        %dma_start3A_613 = arith.constant 0 : i32
        %dma_start3A_614 = arith.constant 0 : i32
        %dma_start3A_615 = tpu.memref_slice %arg16[%dma_start3A_612, %dma_start3A_613, %dma_start3A_614] : memref<10x128x32xf32, #tpu.memory_space<vmem>> -> memref<1x128x32xf32, #tpu.memory_space<vmem>>
        %dma_start3A_616 = tpu.memref_squeeze %dma_start3A_615 : memref<1x128x32xf32, #tpu.memory_space<vmem>> -> memref<128x32xf32, #tpu.memory_space<vmem>>
        %dma_start3A_617 = arith.constant 0 : i32
        %dma_start3A_618 = tpu.memref_slice %arg15[%add3A_611, %dma_start3A_617] : memref<50x128xi32, #tpu.memory_space<vmem>> -> memref<1x128xi32, #tpu.memory_space<vmem>>
        %dma_start3A_619 = tpu.memref_squeeze %dma_start3A_618 : memref<1x128xi32, #tpu.memory_space<vmem>> -> memref<128xi32, #tpu.memory_space<vmem>>
        %dma_start3A_620 = arith.constant 0 : i32
        %dma_start3A_621 = arith.constant 0 : i32
        %dma_start3A_622 = tpu.memref_slice %arg2[%dma_start3A_620, %dma_start3A_621] : memref<1000000x32xf32, #tpu.memory_space<hbm>> -> memref<1000000x32xf32, #tpu.memory_space<hbm>>
        tpu.enqueue_indirect_dma source(%dma_start3A_622 : memref<1000000x32xf32, #tpu.memory_space<hbm>>) target(%dma_start3A_616 : memref<128x32xf32, #tpu.memory_space<vmem>>) offsets(%dma_start3A_619 : memref<128xi32, #tpu.memory_space<vmem>>) semaphore(%arg17 : memref<!tpu.dma_semaphore, #tpu.memory_space<semaphore_mem>>)
      } else {
      }
      %dma_wait3A_446 = arith.constant 6 : i32
      %dma_wait3A_447 = arith.constant 0 : i32
      %dma_wait3A_448 = arith.constant 0 : i32
      %dma_wait3A_449 = tpu.memref_slice %arg16[%dma_wait3A_446, %dma_wait3A_447, %dma_wait3A_448] : memref<10x128x32xf32, #tpu.memory_space<vmem>> -> memref<1x128x32xf32, #tpu.memory_space<vmem>>
      %dma_wait3A_450 = tpu.memref_squeeze %dma_wait3A_449 : memref<1x128x32xf32, #tpu.memory_space<vmem>> -> memref<128x32xf32, #tpu.memory_space<vmem>>
      %dma_wait3A_451 = arith.constant 0 : i32
      %dma_wait3A_452 = tpu.memref_slice %arg15[%add3A_433, %dma_wait3A_451] : memref<50x128xi32, #tpu.memory_space<vmem>> -> memref<1x128xi32, #tpu.memory_space<vmem>>
      %dma_wait3A_453 = tpu.memref_squeeze %dma_wait3A_452 : memref<1x128xi32, #tpu.memory_space<vmem>> -> memref<128xi32, #tpu.memory_space<vmem>>
      %dma_wait3A_454 = arith.constant 0 : i32
      %dma_wait3A_455 = arith.constant 0 : i32
      %dma_wait3A_456 = tpu.memref_slice %arg2[%dma_wait3A_454, %dma_wait3A_455] : memref<1000000x32xf32, #tpu.memory_space<hbm>> -> memref<1000000x32xf32, #tpu.memory_space<hbm>>
      tpu.wait_indirect_dma semaphore(%arg17 : memref<!tpu.dma_semaphore, #tpu.memory_space<semaphore_mem>>) src(%dma_wait3A_456 : memref<1000000x32xf32, #tpu.memory_space<hbm>>) dst(%dma_wait3A_450 : memref<128x32xf32, #tpu.memory_space<vmem>>)
      %add3A_457 = arith.addi %mul3A_2, %add3A_433 : i32
      %dma_start3A_458 = arith.constant 6 : i32
      %dma_start3A_459 = arith.constant 0 : i32
      %dma_start3A_460 = arith.constant 0 : i32
      %dma_start3A_461 = tpu.memref_slice %arg16[%dma_start3A_458, %dma_start3A_459, %dma_start3A_460] : memref<10x128x32xf32, #tpu.memory_space<vmem>> -> memref<1x128x32xf32, #tpu.memory_space<vmem>>
      %dma_start3A_462 = tpu.memref_squeeze %dma_start3A_461 : memref<1x128x32xf32, #tpu.memory_space<vmem>> -> memref<128x32xf32, #tpu.memory_space<vmem>>
      %dma_start3A_463 = arith.constant 0 : i32
      %dma_start3A_464 = arith.constant 0 : i32
      %dma_start3A_465 = tpu.memref_slice %arg10[%add3A_457, %dma_start3A_463, %dma_start3A_464] : memref<1600x128x32xf32, #tpu.memory_space<hbm>> -> memref<1x128x32xf32, #tpu.memory_space<hbm>>
      %dma_start3A_466 = tpu.memref_squeeze %dma_start3A_465 : memref<1x128x32xf32, #tpu.memory_space<hbm>> -> memref<128x32xf32, #tpu.memory_space<hbm>>
      %dma_start3A_467 = arith.constant 0 : i32
      %dma_start3A_468 = arith.constant 0 : i32
      %dma_start3A_469 = tpu.memref_slice %arg10[%add3A_457, %dma_start3A_467, %dma_start3A_468] : memref<1600x128x32xf32, #tpu.memory_space<hbm>> -> memref<1x128x32xf32, #tpu.memory_space<hbm>>
      %dma_start3A_470 = tpu.memref_squeeze %dma_start3A_469 : memref<1x128x32xf32, #tpu.memory_space<hbm>> -> memref<128x32xf32, #tpu.memory_space<hbm>>
      %dma_start3A_471 = arith.constant 0 : i32
      %dma_start3A_472 = arith.constant 0 : i32
      %dma_start3A_473 = tpu.memref_slice %arg16[%dma_start3A_458, %dma_start3A_471, %dma_start3A_472] : memref<10x128x32xf32, #tpu.memory_space<vmem>> -> memref<1x128x32xf32, #tpu.memory_space<vmem>>
      %dma_start3A_474 = tpu.memref_squeeze %dma_start3A_473 : memref<1x128x32xf32, #tpu.memory_space<vmem>> -> memref<128x32xf32, #tpu.memory_space<vmem>>
      tpu.enqueue_dma source(%dma_start3A_474 : memref<128x32xf32, #tpu.memory_space<vmem>>) target(%dma_start3A_470 : memref<128x32xf32, #tpu.memory_space<hbm>>) target_semaphore(%arg18 : memref<!tpu.dma_semaphore, #tpu.memory_space<semaphore_mem>>)
      %mul3A_475 = arith.constant 10 : i32
      %mul3A_476 = arith.muli %add3A_163, %mul3A_475 : i32
      %add3A_477 = arith.constant 7 : i32
      %add3A_478 = arith.addi %mul3A_476, %add3A_477 : i32
      %ge3A_479 = arith.constant 2 : i32
      %ge3A_480 = arith.cmpi sge, %add3A_478, %ge3A_479 : i32
      %convert_element_type3A_481 = arith.extui %ge3A_480 : i1 to i32
      %cond3A_482 = arith.constant 0 : i32
      %cond3A_483 = arith.cmpi ne, %convert_element_type3A_481, %cond3A_482 : i32
      scf.if %cond3A_483 {
        %sub3A = arith.constant 2 : i32
        %sub3A_610 = arith.subi %add3A_478, %sub3A : i32
        %add3A_611 = arith.addi %mul3A_2, %sub3A_610 : i32
        %dma_wait3A_612 = arith.constant 5 : i32
        %dma_wait3A_613 = arith.constant 0 : i32
        %dma_wait3A_614 = arith.constant 0 : i32
        %dma_wait3A_615 = tpu.memref_slice %arg16[%dma_wait3A_612, %dma_wait3A_613, %dma_wait3A_614] : memref<10x128x32xf32, #tpu.memory_space<vmem>> -> memref<1x128x32xf32, #tpu.memory_space<vmem>>
        %dma_wait3A_616 = tpu.memref_squeeze %dma_wait3A_615 : memref<1x128x32xf32, #tpu.memory_space<vmem>> -> memref<128x32xf32, #tpu.memory_space<vmem>>
        %dma_wait3A_617 = arith.constant 0 : i32
        %dma_wait3A_618 = arith.constant 0 : i32
        %dma_wait3A_619 = tpu.memref_slice %arg10[%add3A_611, %dma_wait3A_617, %dma_wait3A_618] : memref<1600x128x32xf32, #tpu.memory_space<hbm>> -> memref<1x128x32xf32, #tpu.memory_space<hbm>>
        %dma_wait3A_620 = tpu.memref_squeeze %dma_wait3A_619 : memref<1x128x32xf32, #tpu.memory_space<hbm>> -> memref<128x32xf32, #tpu.memory_space<hbm>>
        %dma_wait3A_621 = arith.constant 0 : i32
        %dma_wait3A_622 = arith.constant 0 : i32
        %dma_wait3A_623 = tpu.memref_slice %arg10[%add3A_611, %dma_wait3A_621, %dma_wait3A_622] : memref<1600x128x32xf32, #tpu.memory_space<hbm>> -> memref<1x128x32xf32, #tpu.memory_space<hbm>>
        %dma_wait3A_624 = tpu.memref_squeeze %dma_wait3A_623 : memref<1x128x32xf32, #tpu.memory_space<hbm>> -> memref<128x32xf32, #tpu.memory_space<hbm>>
        %dma_wait3A_625 = arith.constant 0 : i32
        %dma_wait3A_626 = arith.constant 0 : i32
        %dma_wait3A_627 = tpu.memref_slice %arg16[%dma_wait3A_612, %dma_wait3A_625, %dma_wait3A_626] : memref<10x128x32xf32, #tpu.memory_space<vmem>> -> memref<1x128x32xf32, #tpu.memory_space<vmem>>
        %dma_wait3A_628 = tpu.memref_squeeze %dma_wait3A_627 : memref<1x128x32xf32, #tpu.memory_space<vmem>> -> memref<128x32xf32, #tpu.memory_space<vmem>>
        tpu.wait_dma2 semaphore(%arg18 : memref<!tpu.dma_semaphore, #tpu.memory_space<semaphore_mem>>) src(%dma_wait3A_628 : memref<128x32xf32, #tpu.memory_space<vmem>>) dst(%dma_wait3A_624 : memref<128x32xf32, #tpu.memory_space<hbm>>)
      } else {
      }
      %add3A_484 = arith.constant 8 : i32
      %add3A_485 = arith.addi %add3A_478, %add3A_484 : i32
      %lt3A_486 = arith.constant 50 : i32
      %lt3A_487 = arith.cmpi slt, %add3A_485, %lt3A_486 : i32
      %convert_element_type3A_488 = arith.extui %lt3A_487 : i1 to i32
      %cond3A_489 = arith.constant 0 : i32
      %cond3A_490 = arith.cmpi ne, %convert_element_type3A_488, %cond3A_489 : i32
      scf.if %cond3A_490 {
        %add3A_610 = arith.constant 8 : i32
        %add3A_611 = arith.addi %add3A_478, %add3A_610 : i32
        %dma_start3A_612 = arith.constant 5 : i32
        %dma_start3A_613 = arith.constant 0 : i32
        %dma_start3A_614 = arith.constant 0 : i32
        %dma_start3A_615 = tpu.memref_slice %arg16[%dma_start3A_612, %dma_start3A_613, %dma_start3A_614] : memref<10x128x32xf32, #tpu.memory_space<vmem>> -> memref<1x128x32xf32, #tpu.memory_space<vmem>>
        %dma_start3A_616 = tpu.memref_squeeze %dma_start3A_615 : memref<1x128x32xf32, #tpu.memory_space<vmem>> -> memref<128x32xf32, #tpu.memory_space<vmem>>
        %dma_start3A_617 = arith.constant 0 : i32
        %dma_start3A_618 = tpu.memref_slice %arg15[%add3A_611, %dma_start3A_617] : memref<50x128xi32, #tpu.memory_space<vmem>> -> memref<1x128xi32, #tpu.memory_space<vmem>>
        %dma_start3A_619 = tpu.memref_squeeze %dma_start3A_618 : memref<1x128xi32, #tpu.memory_space<vmem>> -> memref<128xi32, #tpu.memory_space<vmem>>
        %dma_start3A_620 = arith.constant 0 : i32
        %dma_start3A_621 = arith.constant 0 : i32
        %dma_start3A_622 = tpu.memref_slice %arg2[%dma_start3A_620, %dma_start3A_621] : memref<1000000x32xf32, #tpu.memory_space<hbm>> -> memref<1000000x32xf32, #tpu.memory_space<hbm>>
        tpu.enqueue_indirect_dma source(%dma_start3A_622 : memref<1000000x32xf32, #tpu.memory_space<hbm>>) target(%dma_start3A_616 : memref<128x32xf32, #tpu.memory_space<vmem>>) offsets(%dma_start3A_619 : memref<128xi32, #tpu.memory_space<vmem>>) semaphore(%arg17 : memref<!tpu.dma_semaphore, #tpu.memory_space<semaphore_mem>>)
      } else {
      }
      %dma_wait3A_491 = arith.constant 7 : i32
      %dma_wait3A_492 = arith.constant 0 : i32
      %dma_wait3A_493 = arith.constant 0 : i32
      %dma_wait3A_494 = tpu.memref_slice %arg16[%dma_wait3A_491, %dma_wait3A_492, %dma_wait3A_493] : memref<10x128x32xf32, #tpu.memory_space<vmem>> -> memref<1x128x32xf32, #tpu.memory_space<vmem>>
      %dma_wait3A_495 = tpu.memref_squeeze %dma_wait3A_494 : memref<1x128x32xf32, #tpu.memory_space<vmem>> -> memref<128x32xf32, #tpu.memory_space<vmem>>
      %dma_wait3A_496 = arith.constant 0 : i32
      %dma_wait3A_497 = tpu.memref_slice %arg15[%add3A_478, %dma_wait3A_496] : memref<50x128xi32, #tpu.memory_space<vmem>> -> memref<1x128xi32, #tpu.memory_space<vmem>>
      %dma_wait3A_498 = tpu.memref_squeeze %dma_wait3A_497 : memref<1x128xi32, #tpu.memory_space<vmem>> -> memref<128xi32, #tpu.memory_space<vmem>>
      %dma_wait3A_499 = arith.constant 0 : i32
      %dma_wait3A_500 = arith.constant 0 : i32
      %dma_wait3A_501 = tpu.memref_slice %arg2[%dma_wait3A_499, %dma_wait3A_500] : memref<1000000x32xf32, #tpu.memory_space<hbm>> -> memref<1000000x32xf32, #tpu.memory_space<hbm>>
      tpu.wait_indirect_dma semaphore(%arg17 : memref<!tpu.dma_semaphore, #tpu.memory_space<semaphore_mem>>) src(%dma_wait3A_501 : memref<1000000x32xf32, #tpu.memory_space<hbm>>) dst(%dma_wait3A_495 : memref<128x32xf32, #tpu.memory_space<vmem>>)
      %add3A_502 = arith.addi %mul3A_2, %add3A_478 : i32
      %dma_start3A_503 = arith.constant 7 : i32
      %dma_start3A_504 = arith.constant 0 : i32
      %dma_start3A_505 = arith.constant 0 : i32
      %dma_start3A_506 = tpu.memref_slice %arg16[%dma_start3A_503, %dma_start3A_504, %dma_start3A_505] : memref<10x128x32xf32, #tpu.memory_space<vmem>> -> memref<1x128x32xf32, #tpu.memory_space<vmem>>
      %dma_start3A_507 = tpu.memref_squeeze %dma_start3A_506 : memref<1x128x32xf32, #tpu.memory_space<vmem>> -> memref<128x32xf32, #tpu.memory_space<vmem>>
      %dma_start3A_508 = arith.constant 0 : i32
      %dma_start3A_509 = arith.constant 0 : i32
      %dma_start3A_510 = tpu.memref_slice %arg10[%add3A_502, %dma_start3A_508, %dma_start3A_509] : memref<1600x128x32xf32, #tpu.memory_space<hbm>> -> memref<1x128x32xf32, #tpu.memory_space<hbm>>
      %dma_start3A_511 = tpu.memref_squeeze %dma_start3A_510 : memref<1x128x32xf32, #tpu.memory_space<hbm>> -> memref<128x32xf32, #tpu.memory_space<hbm>>
      %dma_start3A_512 = arith.constant 0 : i32
      %dma_start3A_513 = arith.constant 0 : i32
      %dma_start3A_514 = tpu.memref_slice %arg10[%add3A_502, %dma_start3A_512, %dma_start3A_513] : memref<1600x128x32xf32, #tpu.memory_space<hbm>> -> memref<1x128x32xf32, #tpu.memory_space<hbm>>
      %dma_start3A_515 = tpu.memref_squeeze %dma_start3A_514 : memref<1x128x32xf32, #tpu.memory_space<hbm>> -> memref<128x32xf32, #tpu.memory_space<hbm>>
      %dma_start3A_516 = arith.constant 0 : i32
      %dma_start3A_517 = arith.constant 0 : i32
      %dma_start3A_518 = tpu.memref_slice %arg16[%dma_start3A_503, %dma_start3A_516, %dma_start3A_517] : memref<10x128x32xf32, #tpu.memory_space<vmem>> -> memref<1x128x32xf32, #tpu.memory_space<vmem>>
      %dma_start3A_519 = tpu.memref_squeeze %dma_start3A_518 : memref<1x128x32xf32, #tpu.memory_space<vmem>> -> memref<128x32xf32, #tpu.memory_space<vmem>>
      tpu.enqueue_dma source(%dma_start3A_519 : memref<128x32xf32, #tpu.memory_space<vmem>>) target(%dma_start3A_515 : memref<128x32xf32, #tpu.memory_space<hbm>>) target_semaphore(%arg18 : memref<!tpu.dma_semaphore, #tpu.memory_space<semaphore_mem>>)
      %mul3A_520 = arith.constant 10 : i32
      %mul3A_521 = arith.muli %add3A_163, %mul3A_520 : i32
      %add3A_522 = arith.constant 8 : i32
      %add3A_523 = arith.addi %mul3A_521, %add3A_522 : i32
      %ge3A_524 = arith.constant 2 : i32
      %ge3A_525 = arith.cmpi sge, %add3A_523, %ge3A_524 : i32
      %convert_element_type3A_526 = arith.extui %ge3A_525 : i1 to i32
      %cond3A_527 = arith.constant 0 : i32
      %cond3A_528 = arith.cmpi ne, %convert_element_type3A_526, %cond3A_527 : i32
      scf.if %cond3A_528 {
        %sub3A = arith.constant 2 : i32
        %sub3A_610 = arith.subi %add3A_523, %sub3A : i32
        %add3A_611 = arith.addi %mul3A_2, %sub3A_610 : i32
        %dma_wait3A_612 = arith.constant 6 : i32
        %dma_wait3A_613 = arith.constant 0 : i32
        %dma_wait3A_614 = arith.constant 0 : i32
        %dma_wait3A_615 = tpu.memref_slice %arg16[%dma_wait3A_612, %dma_wait3A_613, %dma_wait3A_614] : memref<10x128x32xf32, #tpu.memory_space<vmem>> -> memref<1x128x32xf32, #tpu.memory_space<vmem>>
        %dma_wait3A_616 = tpu.memref_squeeze %dma_wait3A_615 : memref<1x128x32xf32, #tpu.memory_space<vmem>> -> memref<128x32xf32, #tpu.memory_space<vmem>>
        %dma_wait3A_617 = arith.constant 0 : i32
        %dma_wait3A_618 = arith.constant 0 : i32
        %dma_wait3A_619 = tpu.memref_slice %arg10[%add3A_611, %dma_wait3A_617, %dma_wait3A_618] : memref<1600x128x32xf32, #tpu.memory_space<hbm>> -> memref<1x128x32xf32, #tpu.memory_space<hbm>>
        %dma_wait3A_620 = tpu.memref_squeeze %dma_wait3A_619 : memref<1x128x32xf32, #tpu.memory_space<hbm>> -> memref<128x32xf32, #tpu.memory_space<hbm>>
        %dma_wait3A_621 = arith.constant 0 : i32
        %dma_wait3A_622 = arith.constant 0 : i32
        %dma_wait3A_623 = tpu.memref_slice %arg10[%add3A_611, %dma_wait3A_621, %dma_wait3A_622] : memref<1600x128x32xf32, #tpu.memory_space<hbm>> -> memref<1x128x32xf32, #tpu.memory_space<hbm>>
        %dma_wait3A_624 = tpu.memref_squeeze %dma_wait3A_623 : memref<1x128x32xf32, #tpu.memory_space<hbm>> -> memref<128x32xf32, #tpu.memory_space<hbm>>
        %dma_wait3A_625 = arith.constant 0 : i32
        %dma_wait3A_626 = arith.constant 0 : i32
        %dma_wait3A_627 = tpu.memref_slice %arg16[%dma_wait3A_612, %dma_wait3A_625, %dma_wait3A_626] : memref<10x128x32xf32, #tpu.memory_space<vmem>> -> memref<1x128x32xf32, #tpu.memory_space<vmem>>
        %dma_wait3A_628 = tpu.memref_squeeze %dma_wait3A_627 : memref<1x128x32xf32, #tpu.memory_space<vmem>> -> memref<128x32xf32, #tpu.memory_space<vmem>>
        tpu.wait_dma2 semaphore(%arg18 : memref<!tpu.dma_semaphore, #tpu.memory_space<semaphore_mem>>) src(%dma_wait3A_628 : memref<128x32xf32, #tpu.memory_space<vmem>>) dst(%dma_wait3A_624 : memref<128x32xf32, #tpu.memory_space<hbm>>)
      } else {
      }
      %add3A_529 = arith.constant 8 : i32
      %add3A_530 = arith.addi %add3A_523, %add3A_529 : i32
      %lt3A_531 = arith.constant 50 : i32
      %lt3A_532 = arith.cmpi slt, %add3A_530, %lt3A_531 : i32
      %convert_element_type3A_533 = arith.extui %lt3A_532 : i1 to i32
      %cond3A_534 = arith.constant 0 : i32
      %cond3A_535 = arith.cmpi ne, %convert_element_type3A_533, %cond3A_534 : i32
      scf.if %cond3A_535 {
        %add3A_610 = arith.constant 8 : i32
        %add3A_611 = arith.addi %add3A_523, %add3A_610 : i32
        %dma_start3A_612 = arith.constant 6 : i32
        %dma_start3A_613 = arith.constant 0 : i32
        %dma_start3A_614 = arith.constant 0 : i32
        %dma_start3A_615 = tpu.memref_slice %arg16[%dma_start3A_612, %dma_start3A_613, %dma_start3A_614] : memref<10x128x32xf32, #tpu.memory_space<vmem>> -> memref<1x128x32xf32, #tpu.memory_space<vmem>>
        %dma_start3A_616 = tpu.memref_squeeze %dma_start3A_615 : memref<1x128x32xf32, #tpu.memory_space<vmem>> -> memref<128x32xf32, #tpu.memory_space<vmem>>
        %dma_start3A_617 = arith.constant 0 : i32
        %dma_start3A_618 = tpu.memref_slice %arg15[%add3A_611, %dma_start3A_617] : memref<50x128xi32, #tpu.memory_space<vmem>> -> memref<1x128xi32, #tpu.memory_space<vmem>>
        %dma_start3A_619 = tpu.memref_squeeze %dma_start3A_618 : memref<1x128xi32, #tpu.memory_space<vmem>> -> memref<128xi32, #tpu.memory_space<vmem>>
        %dma_start3A_620 = arith.constant 0 : i32
        %dma_start3A_621 = arith.constant 0 : i32
        %dma_start3A_622 = tpu.memref_slice %arg2[%dma_start3A_620, %dma_start3A_621] : memref<1000000x32xf32, #tpu.memory_space<hbm>> -> memref<1000000x32xf32, #tpu.memory_space<hbm>>
        tpu.enqueue_indirect_dma source(%dma_start3A_622 : memref<1000000x32xf32, #tpu.memory_space<hbm>>) target(%dma_start3A_616 : memref<128x32xf32, #tpu.memory_space<vmem>>) offsets(%dma_start3A_619 : memref<128xi32, #tpu.memory_space<vmem>>) semaphore(%arg17 : memref<!tpu.dma_semaphore, #tpu.memory_space<semaphore_mem>>)
      } else {
      }
      %dma_wait3A_536 = arith.constant 8 : i32
      %dma_wait3A_537 = arith.constant 0 : i32
      %dma_wait3A_538 = arith.constant 0 : i32
      %dma_wait3A_539 = tpu.memref_slice %arg16[%dma_wait3A_536, %dma_wait3A_537, %dma_wait3A_538] : memref<10x128x32xf32, #tpu.memory_space<vmem>> -> memref<1x128x32xf32, #tpu.memory_space<vmem>>
      %dma_wait3A_540 = tpu.memref_squeeze %dma_wait3A_539 : memref<1x128x32xf32, #tpu.memory_space<vmem>> -> memref<128x32xf32, #tpu.memory_space<vmem>>
      %dma_wait3A_541 = arith.constant 0 : i32
      %dma_wait3A_542 = tpu.memref_slice %arg15[%add3A_523, %dma_wait3A_541] : memref<50x128xi32, #tpu.memory_space<vmem>> -> memref<1x128xi32, #tpu.memory_space<vmem>>
      %dma_wait3A_543 = tpu.memref_squeeze %dma_wait3A_542 : memref<1x128xi32, #tpu.memory_space<vmem>> -> memref<128xi32, #tpu.memory_space<vmem>>
      %dma_wait3A_544 = arith.constant 0 : i32
      %dma_wait3A_545 = arith.constant 0 : i32
      %dma_wait3A_546 = tpu.memref_slice %arg2[%dma_wait3A_544, %dma_wait3A_545] : memref<1000000x32xf32, #tpu.memory_space<hbm>> -> memref<1000000x32xf32, #tpu.memory_space<hbm>>
      tpu.wait_indirect_dma semaphore(%arg17 : memref<!tpu.dma_semaphore, #tpu.memory_space<semaphore_mem>>) src(%dma_wait3A_546 : memref<1000000x32xf32, #tpu.memory_space<hbm>>) dst(%dma_wait3A_540 : memref<128x32xf32, #tpu.memory_space<vmem>>)
      %add3A_547 = arith.addi %mul3A_2, %add3A_523 : i32
      %dma_start3A_548 = arith.constant 8 : i32
      %dma_start3A_549 = arith.constant 0 : i32
      %dma_start3A_550 = arith.constant 0 : i32
      %dma_start3A_551 = tpu.memref_slice %arg16[%dma_start3A_548, %dma_start3A_549, %dma_start3A_550] : memref<10x128x32xf32, #tpu.memory_space<vmem>> -> memref<1x128x32xf32, #tpu.memory_space<vmem>>
      %dma_start3A_552 = tpu.memref_squeeze %dma_start3A_551 : memref<1x128x32xf32, #tpu.memory_space<vmem>> -> memref<128x32xf32, #tpu.memory_space<vmem>>
      %dma_start3A_553 = arith.constant 0 : i32
      %dma_start3A_554 = arith.constant 0 : i32
      %dma_start3A_555 = tpu.memref_slice %arg10[%add3A_547, %dma_start3A_553, %dma_start3A_554] : memref<1600x128x32xf32, #tpu.memory_space<hbm>> -> memref<1x128x32xf32, #tpu.memory_space<hbm>>
      %dma_start3A_556 = tpu.memref_squeeze %dma_start3A_555 : memref<1x128x32xf32, #tpu.memory_space<hbm>> -> memref<128x32xf32, #tpu.memory_space<hbm>>
      %dma_start3A_557 = arith.constant 0 : i32
      %dma_start3A_558 = arith.constant 0 : i32
      %dma_start3A_559 = tpu.memref_slice %arg10[%add3A_547, %dma_start3A_557, %dma_start3A_558] : memref<1600x128x32xf32, #tpu.memory_space<hbm>> -> memref<1x128x32xf32, #tpu.memory_space<hbm>>
      %dma_start3A_560 = tpu.memref_squeeze %dma_start3A_559 : memref<1x128x32xf32, #tpu.memory_space<hbm>> -> memref<128x32xf32, #tpu.memory_space<hbm>>
      %dma_start3A_561 = arith.constant 0 : i32
      %dma_start3A_562 = arith.constant 0 : i32
      %dma_start3A_563 = tpu.memref_slice %arg16[%dma_start3A_548, %dma_start3A_561, %dma_start3A_562] : memref<10x128x32xf32, #tpu.memory_space<vmem>> -> memref<1x128x32xf32, #tpu.memory_space<vmem>>
      %dma_start3A_564 = tpu.memref_squeeze %dma_start3A_563 : memref<1x128x32xf32, #tpu.memory_space<vmem>> -> memref<128x32xf32, #tpu.memory_space<vmem>>
      tpu.enqueue_dma source(%dma_start3A_564 : memref<128x32xf32, #tpu.memory_space<vmem>>) target(%dma_start3A_560 : memref<128x32xf32, #tpu.memory_space<hbm>>) target_semaphore(%arg18 : memref<!tpu.dma_semaphore, #tpu.memory_space<semaphore_mem>>)
      %mul3A_565 = arith.constant 10 : i32
      %mul3A_566 = arith.muli %add3A_163, %mul3A_565 : i32
      %add3A_567 = arith.constant 9 : i32
      %add3A_568 = arith.addi %mul3A_566, %add3A_567 : i32
      %ge3A_569 = arith.constant 2 : i32
      %ge3A_570 = arith.cmpi sge, %add3A_568, %ge3A_569 : i32
      %convert_element_type3A_571 = arith.extui %ge3A_570 : i1 to i32
      %cond3A_572 = arith.constant 0 : i32
      %cond3A_573 = arith.cmpi ne, %convert_element_type3A_571, %cond3A_572 : i32
      scf.if %cond3A_573 {
        %sub3A = arith.constant 2 : i32
        %sub3A_610 = arith.subi %add3A_568, %sub3A : i32
        %add3A_611 = arith.addi %mul3A_2, %sub3A_610 : i32
        %dma_wait3A_612 = arith.constant 7 : i32
        %dma_wait3A_613 = arith.constant 0 : i32
        %dma_wait3A_614 = arith.constant 0 : i32
        %dma_wait3A_615 = tpu.memref_slice %arg16[%dma_wait3A_612, %dma_wait3A_613, %dma_wait3A_614] : memref<10x128x32xf32, #tpu.memory_space<vmem>> -> memref<1x128x32xf32, #tpu.memory_space<vmem>>
        %dma_wait3A_616 = tpu.memref_squeeze %dma_wait3A_615 : memref<1x128x32xf32, #tpu.memory_space<vmem>> -> memref<128x32xf32, #tpu.memory_space<vmem>>
        %dma_wait3A_617 = arith.constant 0 : i32
        %dma_wait3A_618 = arith.constant 0 : i32
        %dma_wait3A_619 = tpu.memref_slice %arg10[%add3A_611, %dma_wait3A_617, %dma_wait3A_618] : memref<1600x128x32xf32, #tpu.memory_space<hbm>> -> memref<1x128x32xf32, #tpu.memory_space<hbm>>
        %dma_wait3A_620 = tpu.memref_squeeze %dma_wait3A_619 : memref<1x128x32xf32, #tpu.memory_space<hbm>> -> memref<128x32xf32, #tpu.memory_space<hbm>>
        %dma_wait3A_621 = arith.constant 0 : i32
        %dma_wait3A_622 = arith.constant 0 : i32
        %dma_wait3A_623 = tpu.memref_slice %arg10[%add3A_611, %dma_wait3A_621, %dma_wait3A_622] : memref<1600x128x32xf32, #tpu.memory_space<hbm>> -> memref<1x128x32xf32, #tpu.memory_space<hbm>>
        %dma_wait3A_624 = tpu.memref_squeeze %dma_wait3A_623 : memref<1x128x32xf32, #tpu.memory_space<hbm>> -> memref<128x32xf32, #tpu.memory_space<hbm>>
        %dma_wait3A_625 = arith.constant 0 : i32
        %dma_wait3A_626 = arith.constant 0 : i32
        %dma_wait3A_627 = tpu.memref_slice %arg16[%dma_wait3A_612, %dma_wait3A_625, %dma_wait3A_626] : memref<10x128x32xf32, #tpu.memory_space<vmem>> -> memref<1x128x32xf32, #tpu.memory_space<vmem>>
        %dma_wait3A_628 = tpu.memref_squeeze %dma_wait3A_627 : memref<1x128x32xf32, #tpu.memory_space<vmem>> -> memref<128x32xf32, #tpu.memory_space<vmem>>
        tpu.wait_dma2 semaphore(%arg18 : memref<!tpu.dma_semaphore, #tpu.memory_space<semaphore_mem>>) src(%dma_wait3A_628 : memref<128x32xf32, #tpu.memory_space<vmem>>) dst(%dma_wait3A_624 : memref<128x32xf32, #tpu.memory_space<hbm>>)
      } else {
      }
      %add3A_574 = arith.constant 8 : i32
      %add3A_575 = arith.addi %add3A_568, %add3A_574 : i32
      %lt3A_576 = arith.constant 50 : i32
      %lt3A_577 = arith.cmpi slt, %add3A_575, %lt3A_576 : i32
      %convert_element_type3A_578 = arith.extui %lt3A_577 : i1 to i32
      %cond3A_579 = arith.constant 0 : i32
      %cond3A_580 = arith.cmpi ne, %convert_element_type3A_578, %cond3A_579 : i32
      scf.if %cond3A_580 {
        %add3A_610 = arith.constant 8 : i32
        %add3A_611 = arith.addi %add3A_568, %add3A_610 : i32
        %dma_start3A_612 = arith.constant 7 : i32
        %dma_start3A_613 = arith.constant 0 : i32
        %dma_start3A_614 = arith.constant 0 : i32
        %dma_start3A_615 = tpu.memref_slice %arg16[%dma_start3A_612, %dma_start3A_613, %dma_start3A_614] : memref<10x128x32xf32, #tpu.memory_space<vmem>> -> memref<1x128x32xf32, #tpu.memory_space<vmem>>
        %dma_start3A_616 = tpu.memref_squeeze %dma_start3A_615 : memref<1x128x32xf32, #tpu.memory_space<vmem>> -> memref<128x32xf32, #tpu.memory_space<vmem>>
        %dma_start3A_617 = arith.constant 0 : i32
        %dma_start3A_618 = tpu.memref_slice %arg15[%add3A_611, %dma_start3A_617] : memref<50x128xi32, #tpu.memory_space<vmem>> -> memref<1x128xi32, #tpu.memory_space<vmem>>
        %dma_start3A_619 = tpu.memref_squeeze %dma_start3A_618 : memref<1x128xi32, #tpu.memory_space<vmem>> -> memref<128xi32, #tpu.memory_space<vmem>>
        %dma_start3A_620 = arith.constant 0 : i32
        %dma_start3A_621 = arith.constant 0 : i32
        %dma_start3A_622 = tpu.memref_slice %arg2[%dma_start3A_620, %dma_start3A_621] : memref<1000000x32xf32, #tpu.memory_space<hbm>> -> memref<1000000x32xf32, #tpu.memory_space<hbm>>
        tpu.enqueue_indirect_dma source(%dma_start3A_622 : memref<1000000x32xf32, #tpu.memory_space<hbm>>) target(%dma_start3A_616 : memref<128x32xf32, #tpu.memory_space<vmem>>) offsets(%dma_start3A_619 : memref<128xi32, #tpu.memory_space<vmem>>) semaphore(%arg17 : memref<!tpu.dma_semaphore, #tpu.memory_space<semaphore_mem>>)
      } else {
      }
      %dma_wait3A_581 = arith.constant 9 : i32
      %dma_wait3A_582 = arith.constant 0 : i32
      %dma_wait3A_583 = arith.constant 0 : i32
      %dma_wait3A_584 = tpu.memref_slice %arg16[%dma_wait3A_581, %dma_wait3A_582, %dma_wait3A_583] : memref<10x128x32xf32, #tpu.memory_space<vmem>> -> memref<1x128x32xf32, #tpu.memory_space<vmem>>
      %dma_wait3A_585 = tpu.memref_squeeze %dma_wait3A_584 : memref<1x128x32xf32, #tpu.memory_space<vmem>> -> memref<128x32xf32, #tpu.memory_space<vmem>>
      %dma_wait3A_586 = arith.constant 0 : i32
      %dma_wait3A_587 = tpu.memref_slice %arg15[%add3A_568, %dma_wait3A_586] : memref<50x128xi32, #tpu.memory_space<vmem>> -> memref<1x128xi32, #tpu.memory_space<vmem>>
      %dma_wait3A_588 = tpu.memref_squeeze %dma_wait3A_587 : memref<1x128xi32, #tpu.memory_space<vmem>> -> memref<128xi32, #tpu.memory_space<vmem>>
      %dma_wait3A_589 = arith.constant 0 : i32
      %dma_wait3A_590 = arith.constant 0 : i32
      %dma_wait3A_591 = tpu.memref_slice %arg2[%dma_wait3A_589, %dma_wait3A_590] : memref<1000000x32xf32, #tpu.memory_space<hbm>> -> memref<1000000x32xf32, #tpu.memory_space<hbm>>
      tpu.wait_indirect_dma semaphore(%arg17 : memref<!tpu.dma_semaphore, #tpu.memory_space<semaphore_mem>>) src(%dma_wait3A_591 : memref<1000000x32xf32, #tpu.memory_space<hbm>>) dst(%dma_wait3A_585 : memref<128x32xf32, #tpu.memory_space<vmem>>)
      %add3A_592 = arith.addi %mul3A_2, %add3A_568 : i32
      %dma_start3A_593 = arith.constant 9 : i32
      %dma_start3A_594 = arith.constant 0 : i32
      %dma_start3A_595 = arith.constant 0 : i32
      %dma_start3A_596 = tpu.memref_slice %arg16[%dma_start3A_593, %dma_start3A_594, %dma_start3A_595] : memref<10x128x32xf32, #tpu.memory_space<vmem>> -> memref<1x128x32xf32, #tpu.memory_space<vmem>>
      %dma_start3A_597 = tpu.memref_squeeze %dma_start3A_596 : memref<1x128x32xf32, #tpu.memory_space<vmem>> -> memref<128x32xf32, #tpu.memory_space<vmem>>
      %dma_start3A_598 = arith.constant 0 : i32
      %dma_start3A_599 = arith.constant 0 : i32
      %dma_start3A_600 = tpu.memref_slice %arg10[%add3A_592, %dma_start3A_598, %dma_start3A_599] : memref<1600x128x32xf32, #tpu.memory_space<hbm>> -> memref<1x128x32xf32, #tpu.memory_space<hbm>>
      %dma_start3A_601 = tpu.memref_squeeze %dma_start3A_600 : memref<1x128x32xf32, #tpu.memory_space<hbm>> -> memref<128x32xf32, #tpu.memory_space<hbm>>
      %dma_start3A_602 = arith.constant 0 : i32
      %dma_start3A_603 = arith.constant 0 : i32
      %dma_start3A_604 = tpu.memref_slice %arg10[%add3A_592, %dma_start3A_602, %dma_start3A_603] : memref<1600x128x32xf32, #tpu.memory_space<hbm>> -> memref<1x128x32xf32, #tpu.memory_space<hbm>>
      %dma_start3A_605 = tpu.memref_squeeze %dma_start3A_604 : memref<1x128x32xf32, #tpu.memory_space<hbm>> -> memref<128x32xf32, #tpu.memory_space<hbm>>
      %dma_start3A_606 = arith.constant 0 : i32
      %dma_start3A_607 = arith.constant 0 : i32
      %dma_start3A_608 = tpu.memref_slice %arg16[%dma_start3A_593, %dma_start3A_606, %dma_start3A_607] : memref<10x128x32xf32, #tpu.memory_space<vmem>> -> memref<1x128x32xf32, #tpu.memory_space<vmem>>
      %dma_start3A_609 = tpu.memref_squeeze %dma_start3A_608 : memref<1x128x32xf32, #tpu.memory_space<vmem>> -> memref<128x32xf32, #tpu.memory_space<vmem>>
      tpu.enqueue_dma source(%dma_start3A_609 : memref<128x32xf32, #tpu.memory_space<vmem>>) target(%dma_start3A_605 : memref<128x32xf32, #tpu.memory_space<hbm>>) target_semaphore(%arg18 : memref<!tpu.dma_semaphore, #tpu.memory_space<semaphore_mem>>)
    }
    %scan3A_103 = arith.constant 5 : i32
    %add3A_104 = arith.constant 48 : i32
    %add3A_105 = arith.addi %mul3A_2, %add3A_104 : i32
    %dma_wait3A = arith.constant 8 : i32
    %dma_wait3A_106 = arith.constant 0 : i32
    %dma_wait3A_107 = arith.constant 0 : i32
    %dma_wait3A_108 = tpu.memref_slice %arg16[%dma_wait3A, %dma_wait3A_106, %dma_wait3A_107] : memref<10x128x32xf32, #tpu.memory_space<vmem>> -> memref<1x128x32xf32, #tpu.memory_space<vmem>>
    %dma_wait3A_109 = tpu.memref_squeeze %dma_wait3A_108 : memref<1x128x32xf32, #tpu.memory_space<vmem>> -> memref<128x32xf32, #tpu.memory_space<vmem>>
    %dma_wait3A_110 = arith.constant 0 : i32
    %dma_wait3A_111 = arith.constant 0 : i32
    %dma_wait3A_112 = tpu.memref_slice %arg10[%add3A_105, %dma_wait3A_110, %dma_wait3A_111] : memref<1600x128x32xf32, #tpu.memory_space<hbm>> -> memref<1x128x32xf32, #tpu.memory_space<hbm>>
    %dma_wait3A_113 = tpu.memref_squeeze %dma_wait3A_112 : memref<1x128x32xf32, #tpu.memory_space<hbm>> -> memref<128x32xf32, #tpu.memory_space<hbm>>
    %dma_wait3A_114 = arith.constant 0 : i32
    %dma_wait3A_115 = arith.constant 0 : i32
    %dma_wait3A_116 = tpu.memref_slice %arg10[%add3A_105, %dma_wait3A_114, %dma_wait3A_115] : memref<1600x128x32xf32, #tpu.memory_space<hbm>> -> memref<1x128x32xf32, #tpu.memory_space<hbm>>
    %dma_wait3A_117 = tpu.memref_squeeze %dma_wait3A_116 : memref<1x128x32xf32, #tpu.memory_space<hbm>> -> memref<128x32xf32, #tpu.memory_space<hbm>>
    %dma_wait3A_118 = arith.constant 0 : i32
    %dma_wait3A_119 = arith.constant 0 : i32
    %dma_wait3A_120 = tpu.memref_slice %arg16[%dma_wait3A, %dma_wait3A_118, %dma_wait3A_119] : memref<10x128x32xf32, #tpu.memory_space<vmem>> -> memref<1x128x32xf32, #tpu.memory_space<vmem>>
    %dma_wait3A_121 = tpu.memref_squeeze %dma_wait3A_120 : memref<1x128x32xf32, #tpu.memory_space<vmem>> -> memref<128x32xf32, #tpu.memory_space<vmem>>
    tpu.wait_dma2 semaphore(%arg18 : memref<!tpu.dma_semaphore, #tpu.memory_space<semaphore_mem>>) src(%dma_wait3A_121 : memref<128x32xf32, #tpu.memory_space<vmem>>) dst(%dma_wait3A_117 : memref<128x32xf32, #tpu.memory_space<hbm>>)
    %add3A_122 = arith.constant 49 : i32
    %add3A_123 = arith.addi %mul3A_2, %add3A_122 : i32
    %dma_wait3A_124 = arith.constant 9 : i32
    %dma_wait3A_125 = arith.constant 0 : i32
    %dma_wait3A_126 = arith.constant 0 : i32
    %dma_wait3A_127 = tpu.memref_slice %arg16[%dma_wait3A_124, %dma_wait3A_125, %dma_wait3A_126] : memref<10x128x32xf32, #tpu.memory_space<vmem>> -> memref<1x128x32xf32, #tpu.memory_space<vmem>>
    %dma_wait3A_128 = tpu.memref_squeeze %dma_wait3A_127 : memref<1x128x32xf32, #tpu.memory_space<vmem>> -> memref<128x32xf32, #tpu.memory_space<vmem>>
    %dma_wait3A_129 = arith.constant 0 : i32
    %dma_wait3A_130 = arith.constant 0 : i32
    %dma_wait3A_131 = tpu.memref_slice %arg10[%add3A_123, %dma_wait3A_129, %dma_wait3A_130] : memref<1600x128x32xf32, #tpu.memory_space<hbm>> -> memref<1x128x32xf32, #tpu.memory_space<hbm>>
    %dma_wait3A_132 = tpu.memref_squeeze %dma_wait3A_131 : memref<1x128x32xf32, #tpu.memory_space<hbm>> -> memref<128x32xf32, #tpu.memory_space<hbm>>
    %dma_wait3A_133 = arith.constant 0 : i32
    %dma_wait3A_134 = arith.constant 0 : i32
    %dma_wait3A_135 = tpu.memref_slice %arg10[%add3A_123, %dma_wait3A_133, %dma_wait3A_134] : memref<1600x128x32xf32, #tpu.memory_space<hbm>> -> memref<1x128x32xf32, #tpu.memory_space<hbm>>
    %dma_wait3A_136 = tpu.memref_squeeze %dma_wait3A_135 : memref<1x128x32xf32, #tpu.memory_space<hbm>> -> memref<128x32xf32, #tpu.memory_space<hbm>>
    %dma_wait3A_137 = arith.constant 0 : i32
    %dma_wait3A_138 = arith.constant 0 : i32
    %dma_wait3A_139 = tpu.memref_slice %arg16[%dma_wait3A_124, %dma_wait3A_137, %dma_wait3A_138] : memref<10x128x32xf32, #tpu.memory_space<vmem>> -> memref<1x128x32xf32, #tpu.memory_space<vmem>>
    %dma_wait3A_140 = tpu.memref_squeeze %dma_wait3A_139 : memref<1x128x32xf32, #tpu.memory_space<vmem>> -> memref<128x32xf32, #tpu.memory_space<vmem>>
    tpu.wait_dma2 semaphore(%arg18 : memref<!tpu.dma_semaphore, #tpu.memory_space<semaphore_mem>>) src(%dma_wait3A_140 : memref<128x32xf32, #tpu.memory_space<vmem>>) dst(%dma_wait3A_136 : memref<128x32xf32, #tpu.memory_space<hbm>>)
    "tpu.region"() ({
      %run_scoped3A = tpu.sem_alloc : memref<!tpu.dma_semaphore, #tpu.memory_space<semaphore_mem>>
      %dma_start3A_159 = tpu.memref_slice %arg6[%mul3A_4] : memref<4096xi32, #tpu.memory_space<hbm>> -> memref<128xi32, #tpu.memory_space<hbm>>
      %dma_start3A_160 = tpu.memref_slice %arg6[%mul3A_4] : memref<4096xi32, #tpu.memory_space<hbm>> -> memref<128xi32, #tpu.memory_space<hbm>>
      tpu.enqueue_dma source(%dma_start3A_160 : memref<128xi32, #tpu.memory_space<hbm>>) target(%arg13 : memref<128xi32, #tpu.memory_space<vmem>>) target_semaphore(%run_scoped3A : memref<!tpu.dma_semaphore, #tpu.memory_space<semaphore_mem>>)
      %dma_wait3A_161 = tpu.memref_slice %arg6[%mul3A_4] : memref<4096xi32, #tpu.memory_space<hbm>> -> memref<128xi32, #tpu.memory_space<hbm>>
      %dma_wait3A_162 = tpu.memref_slice %arg6[%mul3A_4] : memref<4096xi32, #tpu.memory_space<hbm>> -> memref<128xi32, #tpu.memory_space<hbm>>
      tpu.wait_dma2 semaphore(%run_scoped3A : memref<!tpu.dma_semaphore, #tpu.memory_space<semaphore_mem>>) src(%dma_wait3A_162 : memref<128xi32, #tpu.memory_space<hbm>>) dst(%arg13 : memref<128xi32, #tpu.memory_space<vmem>>)
      tpu.yield
    }) : () -> ()
    %dma_start3A_141 = arith.constant 0 : i32
    %dma_start3A_142 = arith.constant 0 : i32
    %dma_start3A_143 = tpu.memref_slice %arg4[%dma_start3A_141, %dma_start3A_142] : memref<1000000x32xf32, #tpu.memory_space<hbm>> -> memref<1000000x32xf32, #tpu.memory_space<hbm>>
    tpu.enqueue_indirect_dma source(%dma_start3A_143 : memref<1000000x32xf32, #tpu.memory_space<hbm>>) target(%arg14 : memref<128x32xf32, #tpu.memory_space<vmem>>) offsets(%arg13 : memref<128xi32, #tpu.memory_space<vmem>>) semaphore(%arg17 : memref<!tpu.dma_semaphore, #tpu.memory_space<semaphore_mem>>)
    %dma_wait3A_144 = arith.constant 0 : i32
    %dma_wait3A_145 = arith.constant 0 : i32
    %dma_wait3A_146 = tpu.memref_slice %arg4[%dma_wait3A_144, %dma_wait3A_145] : memref<1000000x32xf32, #tpu.memory_space<hbm>> -> memref<1000000x32xf32, #tpu.memory_space<hbm>>
    tpu.wait_indirect_dma semaphore(%arg17 : memref<!tpu.dma_semaphore, #tpu.memory_space<semaphore_mem>>) src(%dma_wait3A_146 : memref<1000000x32xf32, #tpu.memory_space<hbm>>) dst(%arg14 : memref<128x32xf32, #tpu.memory_space<vmem>>)
    "tpu.region"() ({
      %run_scoped3A = tpu.sem_alloc : memref<!tpu.dma_semaphore, #tpu.memory_space<semaphore_mem>>
      %dma_start3A_159 = arith.constant 0 : i32
      %dma_start3A_160 = tpu.memref_slice %arg9[%mul3A_4, %dma_start3A_159] : memref<4096x32xf32, #tpu.memory_space<hbm>> -> memref<128x32xf32, #tpu.memory_space<hbm>>
      %dma_start3A_161 = arith.constant 0 : i32
      %dma_start3A_162 = tpu.memref_slice %arg9[%mul3A_4, %dma_start3A_161] : memref<4096x32xf32, #tpu.memory_space<hbm>> -> memref<128x32xf32, #tpu.memory_space<hbm>>
      tpu.enqueue_dma source(%arg14 : memref<128x32xf32, #tpu.memory_space<vmem>>) target(%dma_start3A_162 : memref<128x32xf32, #tpu.memory_space<hbm>>) target_semaphore(%run_scoped3A : memref<!tpu.dma_semaphore, #tpu.memory_space<semaphore_mem>>)
      %dma_wait3A_163 = arith.constant 0 : i32
      %dma_wait3A_164 = tpu.memref_slice %arg9[%mul3A_4, %dma_wait3A_163] : memref<4096x32xf32, #tpu.memory_space<hbm>> -> memref<128x32xf32, #tpu.memory_space<hbm>>
      %dma_wait3A_165 = arith.constant 0 : i32
      %dma_wait3A_166 = tpu.memref_slice %arg9[%mul3A_4, %dma_wait3A_165] : memref<4096x32xf32, #tpu.memory_space<hbm>> -> memref<128x32xf32, #tpu.memory_space<hbm>>
      tpu.wait_dma2 semaphore(%run_scoped3A : memref<!tpu.dma_semaphore, #tpu.memory_space<semaphore_mem>>) src(%arg14 : memref<128x32xf32, #tpu.memory_space<vmem>>) dst(%dma_wait3A_166 : memref<128x32xf32, #tpu.memory_space<hbm>>)
      tpu.yield
    }) : () -> ()
    "tpu.region"() ({
      %run_scoped3A = tpu.sem_alloc : memref<!tpu.dma_semaphore, #tpu.memory_space<semaphore_mem>>
      %dma_start3A_159 = tpu.memref_slice %arg7[%mul3A_4] : memref<4096xi32, #tpu.memory_space<hbm>> -> memref<128xi32, #tpu.memory_space<hbm>>
      %dma_start3A_160 = tpu.memref_slice %arg7[%mul3A_4] : memref<4096xi32, #tpu.memory_space<hbm>> -> memref<128xi32, #tpu.memory_space<hbm>>
      tpu.enqueue_dma source(%dma_start3A_160 : memref<128xi32, #tpu.memory_space<hbm>>) target(%arg13 : memref<128xi32, #tpu.memory_space<vmem>>) target_semaphore(%run_scoped3A : memref<!tpu.dma_semaphore, #tpu.memory_space<semaphore_mem>>)
      %dma_wait3A_161 = tpu.memref_slice %arg7[%mul3A_4] : memref<4096xi32, #tpu.memory_space<hbm>> -> memref<128xi32, #tpu.memory_space<hbm>>
      %dma_wait3A_162 = tpu.memref_slice %arg7[%mul3A_4] : memref<4096xi32, #tpu.memory_space<hbm>> -> memref<128xi32, #tpu.memory_space<hbm>>
      tpu.wait_dma2 semaphore(%run_scoped3A : memref<!tpu.dma_semaphore, #tpu.memory_space<semaphore_mem>>) src(%dma_wait3A_162 : memref<128xi32, #tpu.memory_space<hbm>>) dst(%arg13 : memref<128xi32, #tpu.memory_space<vmem>>)
      tpu.yield
    }) : () -> ()
    %dma_start3A_147 = arith.constant 0 : i32
    %dma_start3A_148 = arith.constant 0 : i32
    %dma_start3A_149 = tpu.memref_slice %arg2[%dma_start3A_147, %dma_start3A_148] : memref<1000000x32xf32, #tpu.memory_space<hbm>> -> memref<1000000x32xf32, #tpu.memory_space<hbm>>
    tpu.enqueue_indirect_dma source(%dma_start3A_149 : memref<1000000x32xf32, #tpu.memory_space<hbm>>) target(%arg14 : memref<128x32xf32, #tpu.memory_space<vmem>>) offsets(%arg13 : memref<128xi32, #tpu.memory_space<vmem>>) semaphore(%arg17 : memref<!tpu.dma_semaphore, #tpu.memory_space<semaphore_mem>>)
    %dma_wait3A_150 = arith.constant 0 : i32
    %dma_wait3A_151 = arith.constant 0 : i32
    %dma_wait3A_152 = tpu.memref_slice %arg2[%dma_wait3A_150, %dma_wait3A_151] : memref<1000000x32xf32, #tpu.memory_space<hbm>> -> memref<1000000x32xf32, #tpu.memory_space<hbm>>
    tpu.wait_indirect_dma semaphore(%arg17 : memref<!tpu.dma_semaphore, #tpu.memory_space<semaphore_mem>>) src(%dma_wait3A_152 : memref<1000000x32xf32, #tpu.memory_space<hbm>>) dst(%arg14 : memref<128x32xf32, #tpu.memory_space<vmem>>)
    "tpu.region"() ({
      %run_scoped3A = tpu.sem_alloc : memref<!tpu.dma_semaphore, #tpu.memory_space<semaphore_mem>>
      %dma_start3A_159 = arith.constant 0 : i32
      %dma_start3A_160 = tpu.memref_slice %arg11[%mul3A_4, %dma_start3A_159] : memref<4096x32xf32, #tpu.memory_space<hbm>> -> memref<128x32xf32, #tpu.memory_space<hbm>>
      %dma_start3A_161 = arith.constant 0 : i32
      %dma_start3A_162 = tpu.memref_slice %arg11[%mul3A_4, %dma_start3A_161] : memref<4096x32xf32, #tpu.memory_space<hbm>> -> memref<128x32xf32, #tpu.memory_space<hbm>>
      tpu.enqueue_dma source(%arg14 : memref<128x32xf32, #tpu.memory_space<vmem>>) target(%dma_start3A_162 : memref<128x32xf32, #tpu.memory_space<hbm>>) target_semaphore(%run_scoped3A : memref<!tpu.dma_semaphore, #tpu.memory_space<semaphore_mem>>)
      %dma_wait3A_163 = arith.constant 0 : i32
      %dma_wait3A_164 = tpu.memref_slice %arg11[%mul3A_4, %dma_wait3A_163] : memref<4096x32xf32, #tpu.memory_space<hbm>> -> memref<128x32xf32, #tpu.memory_space<hbm>>
      %dma_wait3A_165 = arith.constant 0 : i32
      %dma_wait3A_166 = tpu.memref_slice %arg11[%mul3A_4, %dma_wait3A_165] : memref<4096x32xf32, #tpu.memory_space<hbm>> -> memref<128x32xf32, #tpu.memory_space<hbm>>
      tpu.wait_dma2 semaphore(%run_scoped3A : memref<!tpu.dma_semaphore, #tpu.memory_space<semaphore_mem>>) src(%arg14 : memref<128x32xf32, #tpu.memory_space<vmem>>) dst(%dma_wait3A_166 : memref<128x32xf32, #tpu.memory_space<hbm>>)
      tpu.yield
    }) : () -> ()
    "tpu.region"() ({
      %run_scoped3A = tpu.sem_alloc : memref<!tpu.dma_semaphore, #tpu.memory_space<semaphore_mem>>
      %dma_start3A_159 = tpu.memref_slice %arg8[%mul3A_4] : memref<4096xi32, #tpu.memory_space<hbm>> -> memref<128xi32, #tpu.memory_space<hbm>>
      %dma_start3A_160 = tpu.memref_slice %arg8[%mul3A_4] : memref<4096xi32, #tpu.memory_space<hbm>> -> memref<128xi32, #tpu.memory_space<hbm>>
      tpu.enqueue_dma source(%dma_start3A_160 : memref<128xi32, #tpu.memory_space<hbm>>) target(%arg13 : memref<128xi32, #tpu.memory_space<vmem>>) target_semaphore(%run_scoped3A : memref<!tpu.dma_semaphore, #tpu.memory_space<semaphore_mem>>)
      %dma_wait3A_161 = tpu.memref_slice %arg8[%mul3A_4] : memref<4096xi32, #tpu.memory_space<hbm>> -> memref<128xi32, #tpu.memory_space<hbm>>
      %dma_wait3A_162 = tpu.memref_slice %arg8[%mul3A_4] : memref<4096xi32, #tpu.memory_space<hbm>> -> memref<128xi32, #tpu.memory_space<hbm>>
      tpu.wait_dma2 semaphore(%run_scoped3A : memref<!tpu.dma_semaphore, #tpu.memory_space<semaphore_mem>>) src(%dma_wait3A_162 : memref<128xi32, #tpu.memory_space<hbm>>) dst(%arg13 : memref<128xi32, #tpu.memory_space<vmem>>)
      tpu.yield
    }) : () -> ()
    %dma_start3A_153 = arith.constant 0 : i32
    %dma_start3A_154 = arith.constant 0 : i32
    %dma_start3A_155 = tpu.memref_slice %arg5[%dma_start3A_153, %dma_start3A_154] : memref<1000x32xf32, #tpu.memory_space<hbm>> -> memref<1000x32xf32, #tpu.memory_space<hbm>>
    tpu.enqueue_indirect_dma source(%dma_start3A_155 : memref<1000x32xf32, #tpu.memory_space<hbm>>) target(%arg14 : memref<128x32xf32, #tpu.memory_space<vmem>>) offsets(%arg13 : memref<128xi32, #tpu.memory_space<vmem>>) semaphore(%arg17 : memref<!tpu.dma_semaphore, #tpu.memory_space<semaphore_mem>>)
    %dma_wait3A_156 = arith.constant 0 : i32
    %dma_wait3A_157 = arith.constant 0 : i32
    %dma_wait3A_158 = tpu.memref_slice %arg5[%dma_wait3A_156, %dma_wait3A_157] : memref<1000x32xf32, #tpu.memory_space<hbm>> -> memref<1000x32xf32, #tpu.memory_space<hbm>>
    tpu.wait_indirect_dma semaphore(%arg17 : memref<!tpu.dma_semaphore, #tpu.memory_space<semaphore_mem>>) src(%dma_wait3A_158 : memref<1000x32xf32, #tpu.memory_space<hbm>>) dst(%arg14 : memref<128x32xf32, #tpu.memory_space<vmem>>)
    "tpu.region"() ({
      %run_scoped3A = tpu.sem_alloc : memref<!tpu.dma_semaphore, #tpu.memory_space<semaphore_mem>>
      %dma_start3A_159 = arith.constant 0 : i32
      %dma_start3A_160 = tpu.memref_slice %arg12[%mul3A_4, %dma_start3A_159] : memref<4096x32xf32, #tpu.memory_space<hbm>> -> memref<128x32xf32, #tpu.memory_space<hbm>>
      %dma_start3A_161 = arith.constant 0 : i32
      %dma_start3A_162 = tpu.memref_slice %arg12[%mul3A_4, %dma_start3A_161] : memref<4096x32xf32, #tpu.memory_space<hbm>> -> memref<128x32xf32, #tpu.memory_space<hbm>>
      tpu.enqueue_dma source(%arg14 : memref<128x32xf32, #tpu.memory_space<vmem>>) target(%dma_start3A_162 : memref<128x32xf32, #tpu.memory_space<hbm>>) target_semaphore(%run_scoped3A : memref<!tpu.dma_semaphore, #tpu.memory_space<semaphore_mem>>)
      %dma_wait3A_163 = arith.constant 0 : i32
      %dma_wait3A_164 = tpu.memref_slice %arg12[%mul3A_4, %dma_wait3A_163] : memref<4096x32xf32, #tpu.memory_space<hbm>> -> memref<128x32xf32, #tpu.memory_space<hbm>>
      %dma_wait3A_165 = arith.constant 0 : i32
      %dma_wait3A_166 = tpu.memref_slice %arg12[%mul3A_4, %dma_wait3A_165] : memref<4096x32xf32, #tpu.memory_space<hbm>> -> memref<128x32xf32, #tpu.memory_space<hbm>>
      tpu.wait_dma2 semaphore(%run_scoped3A : memref<!tpu.dma_semaphore, #tpu.memory_space<semaphore_mem>>) src(%arg14 : memref<128x32xf32, #tpu.memory_space<vmem>>) dst(%dma_wait3A_166 : memref<128x32xf32, #tpu.memory_space<hbm>>)
      tpu.yield
    }) : () -> ()
    return
  }
}

module attributes {stable_mosaic.version = 14 : i64} {
  func.func @body(%arg0: i32, %arg1: memref<512x32xf32, #tpu.memory_space<vmem>>, %arg2: memref<512x1600xf32, #tpu.memory_space<vmem>>, %arg3: memref<512x32xf32, #tpu.memory_space<vmem>>, %arg4: memref<512x32xf32, #tpu.memory_space<vmem>>, %arg5: memref<32x64xf32, #tpu.memory_space<vmem>>, %arg6: memref<1600x64xf32, #tpu.memory_space<vmem>>, %arg7: memref<1x64xf32, #tpu.memory_space<vmem>>, %arg8: memref<64x32xf32, #tpu.memory_space<vmem>>, %arg9: memref<1x32xf32, #tpu.memory_space<vmem>>, %arg10: memref<32x64xf32, #tpu.memory_space<vmem>>, %arg11: memref<32x64xf32, #tpu.memory_space<vmem>>, %arg12: memref<1x64xf32, #tpu.memory_space<vmem>>, %arg13: memref<64x32xf32, #tpu.memory_space<vmem>>, %arg14: memref<1x32xf32, #tpu.memory_space<vmem>>, %arg15: memref<512xf32, #tpu.memory_space<vmem>>) attributes {dimension_semantics = [#tpu.dimension_semantics<arbitrary>], iteration_bounds = array<i64: 8>, scalar_prefetch = 0 : i64, scratch_operands = 0 : i64, tpu.core_type = #tpu.core_type<tc>, window_params = [{transform_indices = @transform_0, window_bounds = array<i64: 512, 32>}, {transform_indices = @transform_1, window_bounds = array<i64: 512, 1600>}, {transform_indices = @transform_2, window_bounds = array<i64: 512, 32>}, {transform_indices = @transform_3, window_bounds = array<i64: 512, 32>}, {pipeline_mode = #tpu.pipeline_mode<synchronous>, transform_indices = @transform_4, window_bounds = array<i64: 32, 64>}, {pipeline_mode = #tpu.pipeline_mode<synchronous>, transform_indices = @transform_5, window_bounds = array<i64: 1600, 64>}, {pipeline_mode = #tpu.pipeline_mode<synchronous>, transform_indices = @transform_6, window_bounds = array<i64: 1, 64>}, {pipeline_mode = #tpu.pipeline_mode<synchronous>, transform_indices = @transform_7, window_bounds = array<i64: 64, 32>}, {pipeline_mode = #tpu.pipeline_mode<synchronous>, transform_indices = @transform_8, window_bounds = array<i64: 1, 32>}, {pipeline_mode = #tpu.pipeline_mode<synchronous>, transform_indices = @transform_9, window_bounds = array<i64: 32, 64>}, {pipeline_mode = #tpu.pipeline_mode<synchronous>, transform_indices = @transform_10, window_bounds = array<i64: 32, 64>}, {pipeline_mode = #tpu.pipeline_mode<synchronous>, transform_indices = @transform_11, window_bounds = array<i64: 1, 64>}, {pipeline_mode = #tpu.pipeline_mode<synchronous>, transform_indices = @transform_12, window_bounds = array<i64: 64, 32>}, {pipeline_mode = #tpu.pipeline_mode<synchronous>, transform_indices = @transform_13, window_bounds = array<i64: 1, 32>}, {transform_indices = @transform_14, window_bounds = array<i64: 512>}]} {
    %get3A = arith.constant 0 : index
    %get3A_0 = arith.constant 0 : index
    %get3A_1 = vector.load %arg1[%get3A, %get3A_0] : memref<512x32xf32, #tpu.memory_space<vmem>>, vector<512x32xf32>
    %get3A_2 = arith.constant 0 : index
    %get3A_3 = arith.constant 0 : index
    %get3A_4 = vector.load %arg5[%get3A_2, %get3A_3] : memref<32x64xf32, #tpu.memory_space<vmem>>, vector<32x64xf32>
    %dot_general3A = arith.constant dense<0.000000e+00> : vector<512x64xf32>
    %dot_general3A_5 = tpu.matmul %get3A_1, %get3A_4, %dot_general3A {dimension_numbers = #tpu.dot_dimension_numbers<[1], [0], [0], [1], [0, 0, 1, 1], [], []>, transpose_lhs_hint = false} : vector<512x32xf32>, vector<32x64xf32>, vector<512x64xf32> -> vector<512x64xf32>
    %get3A_6 = arith.constant 0 : index
    %get3A_7 = arith.constant 0 : index
    %get3A_8 = vector.load %arg2[%get3A_6, %get3A_7] : memref<512x1600xf32, #tpu.memory_space<vmem>>, vector<512x1600xf32>
    %get3A_9 = arith.constant 0 : index
    %get3A_10 = arith.constant 0 : index
    %get3A_11 = vector.load %arg6[%get3A_9, %get3A_10] : memref<1600x64xf32, #tpu.memory_space<vmem>>, vector<1600x64xf32>
    %dot_general3A_12 = arith.constant dense<0.000000e+00> : vector<512x64xf32>
    %dot_general3A_13 = tpu.matmul %get3A_8, %get3A_11, %dot_general3A_12 {dimension_numbers = #tpu.dot_dimension_numbers<[1], [0], [0], [1], [0, 0, 1, 1], [], []>, transpose_lhs_hint = false} : vector<512x1600xf32>, vector<1600x64xf32>, vector<512x64xf32> -> vector<512x64xf32>
    %add3A = arith.addf %dot_general3A_5, %dot_general3A_13 : vector<512x64xf32>
    %get3A_14 = arith.constant 0 : index
    %get3A_15 = arith.constant 0 : index
    %get3A_16 = vector.load %arg7[%get3A_14, %get3A_15] : memref<1x64xf32, #tpu.memory_space<vmem>>, vector<1x64xf32>
    %add3A_17 = vector.broadcast %get3A_16 : vector<1x64xf32> to vector<512x64xf32>
    %add3A_18 = arith.addf %add3A, %add3A_17 : vector<512x64xf32>
    %max3A = arith.constant 0.000000e+00 : f32
    %max3A_19 = vector.broadcast %max3A : f32 to vector<512x64xf32>
    %max3A_20 = arith.maximumf %add3A_18, %max3A_19 : vector<512x64xf32>
    %get3A_21 = arith.constant 0 : index
    %get3A_22 = arith.constant 0 : index
    %get3A_23 = vector.load %arg8[%get3A_21, %get3A_22] : memref<64x32xf32, #tpu.memory_space<vmem>>, vector<64x32xf32>
    %dot_general3A_24 = arith.constant dense<0.000000e+00> : vector<512x32xf32>
    %dot_general3A_25 = tpu.matmul %max3A_20, %get3A_23, %dot_general3A_24 {dimension_numbers = #tpu.dot_dimension_numbers<[1], [0], [0], [1], [0, 0, 1, 1], [], []>, transpose_lhs_hint = false} : vector<512x64xf32>, vector<64x32xf32>, vector<512x32xf32> -> vector<512x32xf32>
    %get3A_26 = arith.constant 0 : index
    %get3A_27 = arith.constant 0 : index
    %get3A_28 = vector.load %arg9[%get3A_26, %get3A_27] : memref<1x32xf32, #tpu.memory_space<vmem>>, vector<1x32xf32>
    %add3A_29 = vector.broadcast %get3A_28 : vector<1x32xf32> to vector<512x32xf32>
    %add3A_30 = arith.addf %dot_general3A_25, %add3A_29 : vector<512x32xf32>
    %get3A_31 = arith.constant 0 : index
    %get3A_32 = arith.constant 0 : index
    %get3A_33 = vector.load %arg3[%get3A_31, %get3A_32] : memref<512x32xf32, #tpu.memory_space<vmem>>, vector<512x32xf32>
    %get3A_34 = arith.constant 0 : index
    %get3A_35 = arith.constant 0 : index
    %get3A_36 = vector.load %arg10[%get3A_34, %get3A_35] : memref<32x64xf32, #tpu.memory_space<vmem>>, vector<32x64xf32>
    %dot_general3A_37 = arith.constant dense<0.000000e+00> : vector<512x64xf32>
    %dot_general3A_38 = tpu.matmul %get3A_33, %get3A_36, %dot_general3A_37 {dimension_numbers = #tpu.dot_dimension_numbers<[1], [0], [0], [1], [0, 0, 1, 1], [], []>, transpose_lhs_hint = false} : vector<512x32xf32>, vector<32x64xf32>, vector<512x64xf32> -> vector<512x64xf32>
    %get3A_39 = arith.constant 0 : index
    %get3A_40 = arith.constant 0 : index
    %get3A_41 = vector.load %arg4[%get3A_39, %get3A_40] : memref<512x32xf32, #tpu.memory_space<vmem>>, vector<512x32xf32>
    %get3A_42 = arith.constant 0 : index
    %get3A_43 = arith.constant 0 : index
    %get3A_44 = vector.load %arg11[%get3A_42, %get3A_43] : memref<32x64xf32, #tpu.memory_space<vmem>>, vector<32x64xf32>
    %dot_general3A_45 = arith.constant dense<0.000000e+00> : vector<512x64xf32>
    %dot_general3A_46 = tpu.matmul %get3A_41, %get3A_44, %dot_general3A_45 {dimension_numbers = #tpu.dot_dimension_numbers<[1], [0], [0], [1], [0, 0, 1, 1], [], []>, transpose_lhs_hint = false} : vector<512x32xf32>, vector<32x64xf32>, vector<512x64xf32> -> vector<512x64xf32>
    %add3A_47 = arith.addf %dot_general3A_38, %dot_general3A_46 : vector<512x64xf32>
    %get3A_48 = arith.constant 0 : index
    %get3A_49 = arith.constant 0 : index
    %get3A_50 = vector.load %arg12[%get3A_48, %get3A_49] : memref<1x64xf32, #tpu.memory_space<vmem>>, vector<1x64xf32>
    %add3A_51 = vector.broadcast %get3A_50 : vector<1x64xf32> to vector<512x64xf32>
    %add3A_52 = arith.addf %add3A_47, %add3A_51 : vector<512x64xf32>
    %max3A_53 = arith.constant 0.000000e+00 : f32
    %max3A_54 = vector.broadcast %max3A_53 : f32 to vector<512x64xf32>
    %max3A_55 = arith.maximumf %add3A_52, %max3A_54 : vector<512x64xf32>
    %get3A_56 = arith.constant 0 : index
    %get3A_57 = arith.constant 0 : index
    %get3A_58 = vector.load %arg13[%get3A_56, %get3A_57] : memref<64x32xf32, #tpu.memory_space<vmem>>, vector<64x32xf32>
    %dot_general3A_59 = arith.constant dense<0.000000e+00> : vector<512x32xf32>
    %dot_general3A_60 = tpu.matmul %max3A_55, %get3A_58, %dot_general3A_59 {dimension_numbers = #tpu.dot_dimension_numbers<[1], [0], [0], [1], [0, 0, 1, 1], [], []>, transpose_lhs_hint = false} : vector<512x64xf32>, vector<64x32xf32>, vector<512x32xf32> -> vector<512x32xf32>
    %get3A_61 = arith.constant 0 : index
    %get3A_62 = arith.constant 0 : index
    %get3A_63 = vector.load %arg14[%get3A_61, %get3A_62] : memref<1x32xf32, #tpu.memory_space<vmem>>, vector<1x32xf32>
    %add3A_64 = vector.broadcast %get3A_63 : vector<1x32xf32> to vector<512x32xf32>
    %add3A_65 = arith.addf %dot_general3A_60, %add3A_64 : vector<512x32xf32>
    %mul3A = arith.mulf %add3A_30, %add3A_65 : vector<512x32xf32>
    %reduce_sum3A = arith.constant dense<0.000000e+00> : vector<512xf32>
    %reduce_sum3A_66 = vector.multi_reduction <add>, %mul3A, %reduce_sum3A [1] : vector<512x32xf32> to vector<512xf32>
    %logistic3A = arith.negf %reduce_sum3A_66 : vector<512xf32>
    %logistic3A_67 = math.exp %logistic3A : vector<512xf32>
    %logistic3A_68 = arith.constant 1.000000e+00 : f32
    %logistic3A_69 = vector.broadcast %logistic3A_68 : f32 to vector<512xf32>
    %logistic3A_70 = arith.addf %logistic3A_69, %logistic3A_67 : vector<512xf32>
    %logistic3A_71 = arith.divf %logistic3A_69, %logistic3A_70 : vector<512xf32>
    %swap3A = arith.constant 0 : index
    %swap3A_72 = vector.load %arg15[%swap3A] : memref<512xf32, #tpu.memory_space<vmem>>, vector<512xf32>
    tpu.vector_store %arg15[%swap3A], %logistic3A_71 {strides = array<i32>} : memref<512xf32, #tpu.memory_space<vmem>>, vector<512xf32>,
    return
  }
  func.func @transform_0(%arg0: i32) -> (i32, i32) {
    %c0_i32 = arith.constant 0 : i32
    %c0_i32_0 = arith.constant 0 : i32
    return %arg0, %c0_i32 : i32, i32
  }
  func.func @transform_1(%arg0: i32) -> (i32, i32) {
    %c0_i32 = arith.constant 0 : i32
    %c0_i32_0 = arith.constant 0 : i32
    return %arg0, %c0_i32 : i32, i32
  }
  func.func @transform_2(%arg0: i32) -> (i32, i32) {
    %c0_i32 = arith.constant 0 : i32
    %c0_i32_0 = arith.constant 0 : i32
    return %arg0, %c0_i32 : i32, i32
  }
  func.func @transform_3(%arg0: i32) -> (i32, i32) {
    %c0_i32 = arith.constant 0 : i32
    %c0_i32_0 = arith.constant 0 : i32
    return %arg0, %c0_i32 : i32, i32
  }
  func.func @transform_4(%arg0: i32) -> (i32, i32) {
    %c0_i32 = arith.constant 0 : i32
    %c0_i32_0 = arith.constant 0 : i32
    %c0_i32_1 = arith.constant 0 : i32
    return %c0_i32, %c0_i32_0 : i32, i32
  }
  func.func @transform_5(%arg0: i32) -> (i32, i32) {
    %c0_i32 = arith.constant 0 : i32
    %c0_i32_0 = arith.constant 0 : i32
    %c0_i32_1 = arith.constant 0 : i32
    return %c0_i32, %c0_i32_0 : i32, i32
  }
  func.func @transform_6(%arg0: i32) -> (i32, i32) {
    %c0_i32 = arith.constant 0 : i32
    %c0_i32_0 = arith.constant 0 : i32
    %c0_i32_1 = arith.constant 0 : i32
    return %c0_i32, %c0_i32_0 : i32, i32
  }
  func.func @transform_7(%arg0: i32) -> (i32, i32) {
    %c0_i32 = arith.constant 0 : i32
    %c0_i32_0 = arith.constant 0 : i32
    %c0_i32_1 = arith.constant 0 : i32
    return %c0_i32, %c0_i32_0 : i32, i32
  }
  func.func @transform_8(%arg0: i32) -> (i32, i32) {
    %c0_i32 = arith.constant 0 : i32
    %c0_i32_0 = arith.constant 0 : i32
    %c0_i32_1 = arith.constant 0 : i32
    return %c0_i32, %c0_i32_0 : i32, i32
  }
  func.func @transform_9(%arg0: i32) -> (i32, i32) {
    %c0_i32 = arith.constant 0 : i32
    %c0_i32_0 = arith.constant 0 : i32
    %c0_i32_1 = arith.constant 0 : i32
    return %c0_i32, %c0_i32_0 : i32, i32
  }
  func.func @transform_10(%arg0: i32) -> (i32, i32) {
    %c0_i32 = arith.constant 0 : i32
    %c0_i32_0 = arith.constant 0 : i32
    %c0_i32_1 = arith.constant 0 : i32
    return %c0_i32, %c0_i32_0 : i32, i32
  }
  func.func @transform_11(%arg0: i32) -> (i32, i32) {
    %c0_i32 = arith.constant 0 : i32
    %c0_i32_0 = arith.constant 0 : i32
    %c0_i32_1 = arith.constant 0 : i32
    return %c0_i32, %c0_i32_0 : i32, i32
  }
  func.func @transform_12(%arg0: i32) -> (i32, i32) {
    %c0_i32 = arith.constant 0 : i32
    %c0_i32_0 = arith.constant 0 : i32
    %c0_i32_1 = arith.constant 0 : i32
    return %c0_i32, %c0_i32_0 : i32, i32
  }
  func.func @transform_13(%arg0: i32) -> (i32, i32) {
    %c0_i32 = arith.constant 0 : i32
    %c0_i32_0 = arith.constant 0 : i32
    %c0_i32_1 = arith.constant 0 : i32
    return %c0_i32, %c0_i32_0 : i32, i32
  }
  func.func @transform_14(%arg0: i32) -> i32 {
    %c0_i32 = arith.constant 0 : i32
    return %arg0 : i32
  }
}

</mosaic_0001>

<sc_bundles>
// kernel: kernel.4.cloned.1.call-start
scs
__scs_entry_jumppad:
0x0: {  	(pc) =	sbr.rel $0x88, $3  }
0x1: {  	(tag) =	ssettag $0x0;
	lr =	simm.s32 $0x1  }
0x2: {  	[smem:$0x3F92] =	sst lr;
	_ =	strace $0xD0000000  }
0x3: {  	_ = 	snop  }
0x4: {  	_ = 	snop  }
0x5: {  	_ = 	snop  }
0x6: {  	_ = 	snop  }
0x7: {  	_ = 	snop  }
__scs_overlays_trampoline_lowered:
0x8: {  	[smem:$0x3FA1] =	sst s0  }
0x9: {  	[smem:$0x3FA2] =	sst s1  }
0xa: {  	[smem:$0x3FA3] =	sst s2  }
0xb: {  	[smem:$0x3FA4] =	sst s3  }
0xc: {  	[smem:$0x3FA5] =	sst s4  }
0xd: {  	[smem:$0x3FA6] =	sst s5  }
0xe: {  	[smem:$0x3FA7] =	sst s6  }
0xf: {  	[smem:$0x3FA8] =	sst s7  }
0x10: {  	[smem:$0x3FA9] =	sst s8  }
0x11: {  	[smem:$0x3FAA] =	sst s9;
	s0 =	simm.s32 @!p0 $0x0  }
0x12: {  	s1 =	sld [smem:$0x3F90];
	s0 =	simm.s32 @p0 $0x1  }
0x13: {  	[smem:$0x3FAB] =	sst s0;
	s0 =	simm.s32 @!p1 $0x0  }
0x14: {  	s2 =	sld [smem:$0x3F8F];
	s0 =	simm.s32 @p1 $0x1  }
0x15: {  	[smem:$0x3FAC] =	sst s0;
	s0 =	simm.s32 @!p2 $0x0  }
0x16: {  	s3 =	sld [smem:$0x3FDB];
	s0 =	simm.s32 @p2 $0x1  }
0x17: {  	s4 =	simm.s32 $0x1BF5;
	[smem:$0x3FAE] =	sst s0  }
0x18: {  	s0 =	sld [smem:$0x3F91];
	_ =	swait.ge [sflag:s4], $0x0  }
0x19: {  	s7 =	sld [smem:$0x3F92]  }
0x1a: {  	s8 =	sadd.s32 $0xFFFFE003, lr  }
0x1b: {  	s9 =	sadd.s32 $0xFFFFFEF7, lr;
	s5 =	simm.s32 $0xFFFFFFFF;
	p2 =	slt.u32 s8, $0xFFFFF086  }
0x1c: {  	p1 =	slt.u32 s9, $0xF7A;
	s5 =	simm.s32 @!p2 $0x0  }
0x1d: {  	s5 =	simm.s32 @p1 $0x1;
	p0 =	seq.s32 s7, s2  }
0x1e: {  	s7 =	smul.u32 @!p0 $0xF7A, s2;
	p2 =	seq.s32 @!p0 s5, $0x0  }
0x1f: {  	s9 =	smul.u32 $0xF7A, s1;
	s8 =	simm.s32 @!p0 $0x1BF5;
	p2 =	por !p2, p0  }
0x20: {  	[sflag:s8] =	ssyncset.s32 @!p0 $0xFFFFF086;
	s6 =	sadd.s32 @!p0 s3, s7;
	s7 =	simm.s32 @!p0 $0x108  }
0x21: {  	s3 =	sadd.s32 s3, s9;
	s6 =	sadd.s32 @!p0 $0x88, s6;
	s7 =	simm.s32 @p2 $0x1082  }
0x22: {  	[simem:s7], [sflag:s8] =	dma.local @!p0 [hbm:s6], $0xF7A  }
0x23: {  	s9 =	sor.u32 $0xD0000000, s2;
	s6 =	simm.s32 $0x108;
	_ =	swait.ge @!p0 [sflag:s8], $0x0  }
0x24: {  	s3 =	sadd.s32 $0x88, s3;
	s6 =	simm.s32 @!p1 $0x1082;
	[sflag:s4] =	ssyncset.s32 $0xFFFFF086  }
0x25: {  	[simem:s6], [sflag:s4] =	dma.local [hbm:s3], $0xF7A  }
0x26: {  	[smem:$0x3F92] =	sst s1;
	(tag) =	ssettag s2;
	_ =	strace s9  }
0x27: {  	s1 =	sld [smem:$0x3FA2]  }
0x28: {  	s2 =	sld [smem:$0x3FA3]  }
0x29: {  	s4 =	sld [smem:$0x3FA5]  }
0x2a: {  	p0 =	seq.s32 s5, $0x0;
	s5 =	sld [smem:$0x3FA6]  }
0x2b: {  	s6 =	sld [smem:$0x3FA7]  }
0x2c: {  	s7 =	sld [smem:$0x3FA8]  }
0x2d: {  	s3 =	simm.s32 $0x108;
	s8 =	sld [smem:$0x3FA9]  }
0x2e: {  	s3 =	simm.s32 @!p0 $0x1082;
	s9 =	sld [smem:$0x3FAA]  }
0x2f: {  	lr =	sadd.s32 s0, s3;
	s0 =	sld [smem:$0x3FA1]  }
0x30: {  	s3 =	sld [smem:$0x3FA4]  }
0x31: {  	[smem:$0x3FAD] =	sst s10  }
0x32: {  	s10 =	sld [smem:$0x3FAB];
	_ =	sdelay $0x3  }
0x33: {  	p0 =	seq.s32 s10, $0x1;
	s10 =	sld [smem:$0x3FAD];
	_ =	sdelay $0x3  }
0x34: {  	[smem:$0x3FAD] =	sst s10  }
0x35: {  	s10 =	sld [smem:$0x3FAC];
	_ =	sdelay $0x3  }
0x36: {  	p1 =	seq.s32 s10, $0x1;
	s10 =	sld [smem:$0x3FAD];
	_ =	sdelay $0x3  }
0x37: {  	[smem:$0x3FAD] =	sst s10  }
0x38: {  	s10 =	sld [smem:$0x3FAE]  }
0x39: {  	_ = 	snop;
	(pc) =	sbr.ind lr, $3  }
0x3a: {  	_ = 	snop  }
0x3b: {  	_ = 	snop  }
0x3c: {  	p2 =	seq.s32 s10, $0x1;
	s10 =	sld [smem:$0x3FAD]  }
0x3d: {  	_ =	shalt  }
0x3e: {  	_ =	shalt  }
0x3f: {  	_ =	shalt  }
0x40: {  	_ =	shalt  }
0x41: {  	_ =	shalt  }
0x42: {  	_ =	shalt  }
0x43: {  	_ =	shalt  }
0x44: {  	_ =	shalt  }
0x45: {  	_ =	shalt  }
0x46: {  	_ =	shalt  }
0x47: {  	_ =	shalt  }
0x48: {  	_ =	shalt  }
0x49: {  	_ =	shalt  }
0x4a: {  	_ =	shalt  }
0x4b: {  	_ =	shalt  }
0x4c: {  	_ =	shalt  }
0x4d: {  	_ =	shalt  }
0x4e: {  	_ =	shalt  }
0x4f: {  	_ =	shalt  }
0x50: {  	_ =	shalt  }
0x51: {  	_ =	shalt  }
0x52: {  	_ =	shalt  }
0x53: {  	_ =	shalt  }
0x54: {  	_ =	shalt  }
0x55: {  	_ =	shalt  }
0x56: {  	_ =	shalt  }
0x57: {  	_ =	shalt  }
0x58: {  	_ =	shalt  }
0x59: {  	_ =	shalt  }
0x5a: {  	_ =	shalt  }
0x5b: {  	_ =	shalt  }
0x5c: {  	_ =	shalt  }
0x5d: {  	_ =	shalt  }
0x5e: {  	_ =	shalt  }
0x5f: {  	_ =	shalt  }
0x60: {  	_ =	shalt  }
0x61: {  	_ =	shalt  }
0x62: {  	_ =	shalt  }
0x63: {  	_ =	shalt  }
0x64: {  	_ =	shalt  }
0x65: {  	_ =	shalt  }
0x66: {  	_ =	shalt  }
0x67: {  	_ =	shalt  }
0x68: {  	_ =	shalt  }
0x69: {  	_ =	shalt  }
0x6a: {  	_ =	shalt  }
0x6b: {  	_ =	shalt  }
0x6c: {  	_ =	shalt  }
0x6d: {  	_ =	shalt  }
0x6e: {  	_ =	shalt  }
0x6f: {  	_ =	shalt  }
0x70: {  	_ =	shalt  }
0x71: {  	_ =	shalt  }
0x72: {  	_ =	shalt  }
0x73: {  	_ =	shalt  }
0x74: {  	_ =	shalt  }
0x75: {  	_ =	shalt  }
0x76: {  	_ =	shalt  }
0x77: {  	_ =	shalt  }
0x78: {  	_ =	shalt  }
0x79: {  	_ =	shalt  }
0x7a: {  	_ =	shalt  }
0x7b: {  	_ =	shalt  }
0x7c: {  	_ =	shalt  }
0x7d: {  	_ =	shalt  }
0x7e: {  	_ =	shalt  }
0x7f: {  	_ =	shalt  }
0x80: {  	_ =	shalt  }
0x81: {  	_ =	shalt  }
0x82: {  	_ =	shalt  }
0x83: {  	_ =	shalt  }
0x84: {  	_ =	shalt  }
0x85: {  	_ =	shalt  }
0x86: {  	_ =	shalt  }
0x87: {  	_ =	shalt  }
.Lfunc_end0:
.L_simem_size_0:
called_computation_lowered:
.L_overlay_start_0:
0x88: {  	s2 =	sld [smem:$0x3FD9]  }
0x89: {  	s3 =	sld [smem:$0x3FFE];
	_ =	sdelay $0x1  }
0x8a: {  	s1 =	srdreg.scid  }
0x8b: {  	s0 =	sand.u32 $0x1, s1  }
0x8c: {  	s17 =	sshll.u32 s0, $0xA;
	s2 =	sadd.s32 s3, s2  }
0x8d: {  	s2 =	sadd.s32 s2, s17  }
0x8e: {  	[smem:$0x3FB9] =	sst s2  }
0x8f: {  	_ = 	snop  }
0x90: {  	s2 =	sld [smem:$0x3FBE]  }
0x91: {  	s18 =	sld [smem:$0x3FBC]  }
0x92: {  	s4 =	sld [smem:$0x3FBB];
	(tm) =	ssettm $0x1  }
0x93: {  	s5 =	sld [smem:$0x3FFB];
	_ =	sdelay $0x3  }
0x94: {  	_ =	strace s5  }
0x95: {  	s5 =	sld [smem:$0x3FFC];
	_ =	sdelay $0x3  }
0x96: {  	_ =	strace s5  }
0x97: {  	s5 =	sld [smem:$0x3FFD];
	_ =	sdelay $0x3  }
0x98: {  	_ =	strace s5  }
0x99: {  	_ =	strace $0x8FFFFFFF  }
0x9a: {  	s19 =	sld [smem:$0x3FDB];
	_ =	sdelay $0x1  }
0x9b: {  	s6 =	simm.s32 $_scs_section_size  }
0x9c: {  	s7 =	simm.s32 $_size__tile_overlayer_lowered;
	s8 =	simm.s32 $_tile_overlayer_lowered  }
0x9d: {  	s22 =	simm.s32 $0x1BFF;
	s21 =	sshll.u32 s8, $0x1;
	s5 =	sadd.s32 s6, s19  }
0x9e: {  	s9 =	simm.s32 $0x0;
	s20 =	sshll.u32 s7, $0x1;
	s7 =	sadd.s32 s21, s5  }
0x9f: {  	[timem:s9], [sflag:s22] =	dma.local [hbm:s7], s20  }
0xa0: {  	_ =	swait.ge [sflag:s22], s20  }
0xa1: {  	s6 =	ssub.s32 $0x0, s20;
	[sflag:s22] =	ssyncset.done $0x0  }
0xa2: {  	[sflag:s22] =	ssyncadd.s32 s6;
	_ =	sdelay $0x1  }
0xa3: {  	s23 =	simm.s32 $0x1B8B  }
0xa4: {  	_ =	swait.ge [sflag:s23], $0x1  }
0xa5: {  	[sflag:s23] =	ssyncset.done $0x0  }
0xa6: {  	s25 =	simm.s32 $0x1B8E;
	s24 =	sld [smem:$0x3FFE];
	[sflag:s23] =	ssyncadd.s32 $0xFFFFFFFF  }
0xa7: {  	s26 =	simm.s32 $execute0_lowered;
	[smem:$0x3FD2] =	sst s25  }
0xa8: {  	s7 =	sshll.u32 s26, $0x1;
	_ =	strace $0x80000046;
	[dreg:$0x1] =	wrdreg $0xFFFFFFFF  }
0xa9: {  	s28 =	simm.s32 $_size_execute0_lowered;
	s5 =	sadd.s32 s5, s7;
	[dreg:$0x0] =	wrdreg $0x0  }
0xaa: {  	s7 =	sshll.u32 s28, $0x1;
	[dreg:$0x2] =	wrdreg s5  }
0xab: {  	[dreg:$0x3] =	wrdreg s7  }
0xac: {  	[dreg:$0x4] =	wrdreg $0xC0  }
0xad: {  	_ =	task [dreg:s9], $0x5FFFF  }
0xae: {  	[dreg:$0x1] =	wrdreg $0xFFFFFFFF  }
0xaf: {  	[dreg:$0x0] =	wrdreg $0x60  }
0xb0: {  	[dreg:$0x2] =	wrdreg s24  }
0xb1: {  	[dreg:$0x3] =	wrdreg s2  }
0xb2: {  	[dreg:$0x4] =	wrdreg s18  }
0xb3: {  	[dreg:$0x5] =	wrdreg s4  }
0xb4: {  	[dreg:$0x6] =	wrdreg $0x9  }
0xb5: {  	_ =	task.clear_ibuf [dreg:s9], $0x7FFFF;
	_ =	strace $0x90000046  }
0xb6: {  	s29 =	simm.s32 $0x9;
	_ =	strace $0x80000048  }
0xb7: {  	_ =	swait.ge [sflag:s29], $0x1  }
0xb8: {  	[sflag:s29] =	ssyncadd.s32 $0xFFFFFFFF  }
0xb9: {  	_ =	strace $0x90000048  }
0xba: {  	_ =	sfence  }
0xbb: {  	s30 =	sld [smem:$0x0];
	_ =	sdelay $0x2  }
0xbc: {  	s31 =	sshll.u32 s1, $0xD;
	s1 =	sshrl.u32 s1, $0x2  }
0xbd: {  	s3 =	sand.u32 $0x4000, s31;
	s1 =	sadd.s32 s1, s30  }
0xbe: {  	s0 =	sor.u32 s3, s0;
	s1 =	sshll.u32 s1, $0x11  }
0xbf: {  	s0 =	sor.u32 s1, s0  }
0xc0: {  	s0 =	sadd.s32 $0x8F2B, s0  }
0xc1: {  	[sflag:s0] =	ssyncadd.remote.s32 $0x1  }
0xc2: {  	_ =	sfence.sel $0xFFFF  }
0xc3: {  	[dreg:$0x0] =	wrdreg $0xFFFFFFFF;
	(pc) =	sbr.abs _section_cstart, $3  }
0xc4: {  	[dreg:$0x1] =	wrdreg $0xFFFFFFFF  }
0xc5: {  	_ =	task.clear_ibuf [dreg:s9], $0x2FFFF;
	_ =	strace $0x9FFFFFFF  }
0xc6: {  	(tm) =	ssettm $0x7FFFFFFF  }
0xc7: {  	_ =	shalt  }
tec
execute0_lowered:
.L_overlay_start_1:
0x0: {  	(tag) =	ssettag $0x1  }
0x1: {  	s0 =	rddreg [dreg:$0x0]  }
0x2: {  	s1 =	rddreg [dreg:$0x1]  }
0x3: {  	s4 =	rddreg [dreg:$0x2]  }
0x4: {  	s2 =	srdreg.scid;
	s14 =	stileid.u32  }
0x5: {  	s5 =	rddreg [dreg:$0x3];
	s28 =	simm.s32 $0x7980;
	s30 =	simm.s32 $0x8980  }
0x6: {  	s6 =	sand.u32 $0x1, s2;
	s3 =	sshll.u32 s14, $0x1;
	s2 =	simm.s32 $0x0  }
0x7: {  	s9 =	smul.u32 $0x64, s14;
	s11 =	sadd.s32 $0x1315000, s0;
	s24 =	sadd.s32 $0x8600, s0  }
0x8: {  	s12 =	sadd.s32 $0x9600, s0;
	s7 =	sor.u32 s6, s3;
	[smem:$0x7FF] =	sst s2  }
0x9: {  	s3 =	sadd.s32 $0xF44600, s0;
	s10 =	smul.u32 $0x32, s6;
	s13 =	ssub.s32 $0x2, s6  }
0xa: {  	s6 =	smul.u32 $0x6400, s6;
	_ =	strace $0x80000047;
	[dreg:$0xf] =	wrdreg s11  }
0xb: {  	s8 =	smul.u32 $0x320, s7;
	[dreg:$0x10] =	wrdreg s24;
	s25 =	sshll.u32 s7, $0x9  }
0xc: {  	s26 =	sshrl.u32 s13, $0x1;
	s7 =	sshll.u32 s7, $0x4;
	s9 =	sadd.s32 s10, s9  }
0xd: {  	s13 =	ssub.s32 s13, s26;
	s1 =	sadd.s32 s1, s7;
	s4 =	sadd.s32 s4, s7  }
0xe: {  	s5 =	sadd.s32 s5, s7;
	s8 =	sadd.s32 s8, s0;
	[dreg:$0x12] =	wrdreg s1  }
0xf: {  	s0 =	sadd.s32 s25, s0;
	s9 =	sshll.u32 s9, $0x9;
	[dreg:$0x14] =	wrdreg s4  }
0x10: {  	[dreg:$0x16] =	wrdreg s5;
	s25 =	smul.u32 $0xC800, s14;
	s13 =	smax.u32 s13, $0x1  }
0x11: {  	s29 =	sadd.s32 $0xC00, s9;
	s8 =	sadd.s32 $0x2200, s8;
	s10 =	sadd.s32 $0xD9600, s0  }
0x12: {  	s11 =	sadd.s32 $0xD5600, s0;
	s15 =	sadd.s32 $0x800, s9;
	[dreg:$0x11] =	wrdreg s8  }
0x13: {  	s16 =	sadd.s32 s9, s12;
	s18 =	sadd.s32 $0x400, s9;
	[dreg:$0x13] =	wrdreg s10  }
0x14: {  	s23 =	sadd.s32 $0x1000, s9;
	s31 =	sand.u32 $0xFFC00, s29;
	[dreg:$0x15] =	wrdreg s11  }
0x15: {  	s4 =	sand.u32 $0xFFC00, s15;
	s17 =	sadd.s32 $0xC00, s16;
	s19 =	sand.u32 $0xFFC00, s18  }
0x16: {  	s20 =	sadd.s32 $0x800, s16;
	s22 =	sadd.s32 $0x400, s16;
	s24 =	sand.u32 $0xFFC00, s23  }
0x17: {  	s26 =	sadd.s32 $0x200, s16;
	s5 =	sadd.s32 s25, s12;
	s15 =	simm.s32 $0x3  }
0x18: {  	s23 =	simm.s32 $0x5980;
	s25 =	simm.s32 $0x6980;
	[dreg:$0x6] =	wrdreg s17  }
0x19: {  	s18 =	simm.s32 $0x1;
	s1 =	sadd.s32 s31, s12;
	[dreg:$0x8] =	wrdreg s20  }
0x1a: {  	s4 =	sadd.s32 s4, s12;
	s8 =	sadd.s32 s19, s12;
	[dreg:$0xa] =	wrdreg s22  }
0x1b: {  	[dreg:$0xb] =	wrdreg s26;
	s29 =	sadd.s32 s6, s5;
	s31 =	sadd.s32 $0x1000, s16  }
0x1c: {  	s16 =	simm.s32 $0x80;
	s17 =	simm.s32 $0x2980;
	[dreg:$0xd] =	wrdreg s29  }
0x1d: {  	s19 =	simm.s32 $0x3980;
	s1 =	sadd.s32 $0x200, s1;
	[dreg:$0xe] =	wrdreg s31  }
0x1e: {  	s20 =	simm.s32 $0xB980;
	s4 =	sadd.s32 $0x200, s4;
	[dreg:$0x5] =	wrdreg s1  }
0x1f: {  	s22 =	simm.s32 $0x2;
	s21 =	sadd.s32 $0x200, s8;
	[dreg:$0x7] =	wrdreg s4  }
0x20: {  	[dreg:$0x9] =	wrdreg s21;
	s4 =	sadd.s32 s24, s12;
	s12 =	sadd.s32 $0xD1600, s0  }
0x21: {  	s21 =	simm.s32 $0x4980;
	s1 =	simm.s32 $0x9980;
	s4 =	sadd.s32 $0x200, s4  }
0x22: {  	s0 =	simm.s32 $0xA980;
	s24 =	simm.s32 $0x0;
	[dreg:$0xc] =	wrdreg s4  }
.LBB2_1:
0x23: {  	s4 =	rddreg [dreg:$0x11];
	s5 =	simm.s32 $0x1080  }
0x24: {  	[tilespmem:s5], [sflag:$0x3] =	stream.linear.gather [hbm4b:s4+s2], $0x1900, $0x38;
	[tilespmem:$0xC980] =	vst v63  }
0x25: {  	_ =	swait.ge [sflag:s15], $0x1900  }
0x26: {  	[sflag:s15] =	ssyncset.done $0x0  }
0x27: {  	[sflag:s15] =	ssyncadd.s32 $0xFFFFE700  }
0x28: {  	[tilespmem:s17], [sflag:$0x1] =	stream.indirect.gather [hbm4b:s3+s16], $0x20, s5, s16, $0xb8;
	[tilespmem:$0xC980] =	vst v63  }
0x29: {  	s6 =	simm.s32 $0x1100  }
0x2a: {  	[tilespmem:s19], [sflag:$0x1] =	stream.indirect.gather [hbm4b:s3+s16], $0x20, s6, s16, $0xb8;
	[tilespmem:$0xC980] =	vst v63  }
0x2b: {  	s7 =	simm.s32 $0x1180  }
0x2c: {  	[tilespmem:s21], [sflag:$0x1] =	stream.indirect.gather [hbm4b:s3+s16], $0x20, s7, s16, $0xb8;
	[tilespmem:$0xC980] =	vst v63  }
0x2d: {  	s8 =	simm.s32 $0x1200  }
0x2e: {  	[tilespmem:s23], [sflag:$0x1] =	stream.indirect.gather [hbm4b:s3+s16], $0x20, s8, s16, $0xb8;
	[tilespmem:$0xC980] =	vst v63  }
0x2f: {  	s9 =	simm.s32 $0x1280  }
0x30: {  	[tilespmem:s25], [sflag:$0x1] =	stream.indirect.gather [hbm4b:s3+s16], $0x20, s9, s16, $0xb8;
	[tilespmem:$0xC980] =	vst v63  }
0x31: {  	s10 =	simm.s32 $0x1300;
	p0 =	por $0x1, $0x1  }
0x32: {  	[tilespmem:s28], [sflag:$0x1] =	stream.indirect.gather [hbm4b:s3+s16], $0x20, s10, s16, $0xb8;
	[tilespmem:$0xC980] =	vst v63  }
0x33: {  	s11 =	simm.s32 $0x1380;
	p0 =	por p0, p0  }
0x34: {  	[tilespmem:s30], [sflag:$0x1] =	stream.indirect.gather [hbm4b:s3+s16], $0x20, s11, s16, $0xb8;
	[tilespmem:$0xC980] =	vst v63  }
0x35: {  	s14 =	simm.s32 $0x1400;
	s4 =	simm.s32 @!p0 $0x2  }
0x36: {  	[tilespmem:s1], [sflag:$0x1] =	stream.indirect.gather [hbm4b:s3+s16], $0x20, s14, s16, $0xb8;
	[tilespmem:$0xC980] =	vst v63  }
0x37: {  	_ =	swait.ge @!p0 [sflag:s4], $0x1000  }
0x38: {  	[sflag:s4] =	ssyncset.done @!p0 $0x0  }
0x39: {  	s26 =	simm.s32 $0x1480;
	[sflag:s4] =	ssyncadd.s32 @!p0 $0xFFFFF000  }
0x3a: {  	[tilespmem:s0], [sflag:$0x1] =	stream.indirect.gather [hbm4b:s3+s16], $0x20, s26, s16, $0xb8;
	[tilespmem:$0xC980] =	vst v63  }
0x3b: {  	_ =	swait.ge [sflag:s18], $0x1000  }
0x3c: {  	s31 =	rddreg [dreg:$0xd];
	[sflag:s18] =	ssyncset.done $0x0  }
0x3d: {  	[sflag:s18] =	ssyncadd.s32 $0xFFFFF000;
	s5 =	sadd.s32 $0x0, s31  }
0x3e: {  	[hbm4b:s5+s2] =	stream.linear.scatter [tilespmem:s17], [sflag:$0x2], $0x1000, $0x38;
	[tilespmem:$0xC980] =	vst v63  }
0x3f: {  	_ =	swait.ge @!p0 [sflag:s4], $0x1000  }
0x40: {  	[sflag:s4] =	ssyncset.done @!p0 $0x0  }
0x41: {  	s5 =	simm.s32 $0x1500;
	[sflag:s4] =	ssyncadd.s32 @!p0 $0xFFFFF000  }
0x42: {  	[tilespmem:s20], [sflag:$0x1] =	stream.indirect.gather [hbm4b:s3+s16], $0x20, s5, s16, $0xb8;
	[tilespmem:$0xC980] =	vst v63  }
0x43: {  	_ =	swait.ge [sflag:s18], $0x1000  }
0x44: {  	s6 =	rddreg [dreg:$0xb];
	[sflag:s18] =	ssyncset.done $0x0  }
0x45: {  	[sflag:s18] =	ssyncadd.s32 $0xFFFFF000;
	s4 =	sadd.s32 $0x0, s6  }
0x46: {  	[hbm4b:s4+s2] =	stream.linear.scatter [tilespmem:s19], [sflag:$0x2], $0x1000, $0x38;
	[tilespmem:$0xC980] =	vst v63  }
0x47: {  	p0 =	por $0x0, $0x0;
	_ =	swait.ge [sflag:s22], $0x1000  }
0x48: {  	s5 =	simm.s32 @!p0 $0x2980;
	[sflag:s22] =	ssyncset.done $0x0  }
0x49: {  	s6 =	simm.s32 @!p0 $0x1580;
	s4 =	simm.s32 @!p0 $0x80;
	[sflag:s22] =	ssyncadd.s32 $0xFFFFF000  }
0x4a: {  	[tilespmem:s5], [sflag:$0x1] =	stream.indirect.gather @!p0 [hbm4b:s3+s4], $0x20, s6, s4, $0xb8;
	[tilespmem:$0xC980] =	vst v63  }
0x4b: {  	_ =	swait.ge [sflag:s18], $0x1000  }
0x4c: {  	s7 =	rddreg [dreg:$0xa];
	[sflag:s18] =	ssyncset.done $0x0  }
0x4d: {  	[sflag:s18] =	ssyncadd.s32 $0xFFFFF000;
	s5 =	sadd.s32 $0x0, s7  }
0x4e: {  	[hbm4b:s5+s2] =	stream.linear.scatter [tilespmem:s21], [sflag:$0x2], $0x1000, $0x38;
	[tilespmem:$0xC980] =	vst v63  }
0x4f: {  	_ =	swait.ge [sflag:s22], $0x1000  }
0x50: {  	[sflag:s22] =	ssyncset.done $0x0  }
0x51: {  	s6 =	simm.s32 @!p0 $0x3980;
	s5 =	simm.s32 @!p0 $0x1600;
	[sflag:s22] =	ssyncadd.s32 $0xFFFFF000  }
0x52: {  	[tilespmem:s6], [sflag:$0x1] =	stream.indirect.gather @!p0 [hbm4b:s3+s4], $0x20, s5, s4, $0xb8;
	[tilespmem:$0xC980] =	vst v63  }
0x53: {  	_ =	swait.ge [sflag:s18], $0x1000  }
0x54: {  	s8 =	rddreg [dreg:$0x9];
	[sflag:s18] =	ssyncset.done $0x0  }
0x55: {  	[sflag:s18] =	ssyncadd.s32 $0xFFFFF000;
	s5 =	sadd.s32 $0x0, s8  }
0x56: {  	[hbm4b:s5+s2] =	stream.linear.scatter [tilespmem:s23], [sflag:$0x2], $0x1000, $0x38;
	[tilespmem:$0xC980] =	vst v63  }
0x57: {  	_ =	swait.ge [sflag:s22], $0x1000  }
0x58: {  	[sflag:s22] =	ssyncset.done $0x0  }
0x59: {  	s6 =	simm.s32 @!p0 $0x4980;
	s5 =	simm.s32 @!p0 $0x1680;
	[sflag:s22] =	ssyncadd.s32 $0xFFFFF000  }
0x5a: {  	[tilespmem:s6], [sflag:$0x1] =	stream.indirect.gather @!p0 [hbm4b:s3+s4], $0x20, s5, s4, $0xb8;
	[tilespmem:$0xC980] =	vst v63  }
0x5b: {  	_ =	swait.ge [sflag:s18], $0x1000  }
0x5c: {  	s9 =	rddreg [dreg:$0x8];
	[sflag:s18] =	ssyncset.done $0x0  }
0x5d: {  	[sflag:s18] =	ssyncadd.s32 $0xFFFFF000;
	s5 =	sadd.s32 $0x0, s9  }
0x5e: {  	[hbm4b:s5+s2] =	stream.linear.scatter [tilespmem:s25], [sflag:$0x2], $0x1000, $0x38;
	[tilespmem:$0xC980] =	vst v63  }
0x5f: {  	_ =	swait.ge [sflag:s22], $0x1000  }
0x60: {  	[sflag:s22] =	ssyncset.done $0x0  }
0x61: {  	s6 =	simm.s32 @!p0 $0x5980;
	s5 =	simm.s32 @!p0 $0x1700;
	[sflag:s22] =	ssyncadd.s32 $0xFFFFF000  }
0x62: {  	[tilespmem:s6], [sflag:$0x1] =	stream.indirect.gather @!p0 [hbm4b:s3+s4], $0x20, s5, s4, $0xb8;
	[tilespmem:$0xC980] =	vst v63  }
0x63: {  	_ =	swait.ge [sflag:s18], $0x1000  }
0x64: {  	s10 =	rddreg [dreg:$0x7];
	[sflag:s18] =	ssyncset.done $0x0  }
0x65: {  	[sflag:s18] =	ssyncadd.s32 $0xFFFFF000;
	s5 =	sadd.s32 $0x0, s10  }
0x66: {  	[hbm4b:s5+s2] =	stream.linear.scatter [tilespmem:s28], [sflag:$0x2], $0x1000, $0x38;
	[tilespmem:$0xC980] =	vst v63  }
0x67: {  	_ =	swait.ge [sflag:s22], $0x1000  }
0x68: {  	[sflag:s22] =	ssyncset.done $0x0  }
0x69: {  	s6 =	simm.s32 @!p0 $0x6980;
	s5 =	simm.s32 @!p0 $0x1780;
	[sflag:s22] =	ssyncadd.s32 $0xFFFFF000  }
0x6a: {  	[tilespmem:s6], [sflag:$0x1] =	stream.indirect.gather @!p0 [hbm4b:s3+s4], $0x20, s5, s4, $0xb8;
	[tilespmem:$0xC980] =	vst v63  }
0x6b: {  	_ =	swait.ge [sflag:s18], $0x1000  }
0x6c: {  	s11 =	rddreg [dreg:$0x6];
	[sflag:s18] =	ssyncset.done $0x0  }
0x6d: {  	[sflag:s18] =	ssyncadd.s32 $0xFFFFF000;
	s5 =	sadd.s32 $0x0, s11  }
0x6e: {  	[hbm4b:s5+s2] =	stream.linear.scatter [tilespmem:s30], [sflag:$0x2], $0x1000, $0x38;
	[tilespmem:$0xC980] =	vst v63  }
0x6f: {  	_ =	swait.ge [sflag:s22], $0x1000  }
0x70: {  	[sflag:s22] =	ssyncset.done $0x0  }
0x71: {  	s6 =	simm.s32 @!p0 $0x7980;
	s5 =	simm.s32 @!p0 $0x1800;
	[sflag:s22] =	ssyncadd.s32 $0xFFFFF000  }
0x72: {  	[tilespmem:s6], [sflag:$0x1] =	stream.indirect.gather @!p0 [hbm4b:s3+s4], $0x20, s5, s4, $0xb8;
	[tilespmem:$0xC980] =	vst v63  }
0x73: {  	_ =	swait.ge [sflag:s18], $0x1000  }
0x74: {  	s14 =	rddreg [dreg:$0x5];
	[sflag:s18] =	ssyncset.done $0x0  }
0x75: {  	[sflag:s18] =	ssyncadd.s32 $0xFFFFF000;
	s5 =	sadd.s32 $0x0, s14  }
0x76: {  	[hbm4b:s5+s2] =	stream.linear.scatter [tilespmem:s1], [sflag:$0x2], $0x1000, $0x38;
	[tilespmem:$0xC980] =	vst v63  }
0x77: {  	_ =	swait.ge [sflag:s22], $0x1000  }
0x78: {  	[sflag:s22] =	ssyncset.done $0x0  }
0x79: {  	s6 =	simm.s32 @!p0 $0x8980;
	s5 =	simm.s32 @!p0 $0x1880;
	[sflag:s22] =	ssyncadd.s32 $0xFFFFF000  }
0x7a: {  	[tilespmem:s6], [sflag:$0x1] =	stream.indirect.gather @!p0 [hbm4b:s3+s4], $0x20, s5, s4, $0xb8;
	[tilespmem:$0xC980] =	vst v63  }
0x7b: {  	_ =	swait.ge [sflag:s18], $0x1000  }
0x7c: {  	s26 =	rddreg [dreg:$0xe];
	[sflag:s18] =	ssyncset.done $0x0  }
0x7d: {  	[sflag:s18] =	ssyncadd.s32 $0xFFFFF000;
	s5 =	sadd.s32 $0x0, s26  }
0x7e: {  	[hbm4b:s5+s2] =	stream.linear.scatter [tilespmem:s0], [sflag:$0x2], $0x1000, $0x38;
	[tilespmem:$0xC980] =	vst v63  }
0x7f: {  	_ =	swait.ge [sflag:s22], $0x1000  }
0x80: {  	[sflag:s22] =	ssyncset.done $0x0  }
0x81: {  	s6 =	simm.s32 @!p0 $0x9980;
	s5 =	simm.s32 @!p0 $0x1900;
	[sflag:s22] =	ssyncadd.s32 $0xFFFFF000  }
0x82: {  	[tilespmem:s6], [sflag:$0x1] =	stream.indirect.gather @!p0 [hbm4b:s3+s4], $0x20, s5, s4, $0xb8;
	[tilespmem:$0xC980] =	vst v63  }
0x83: {  	p6 =	por $0x0, $0x0;
	s29 =	simm.s32 $0x2800;
	_ =	swait.ge [sflag:s18], $0x1000  }
0x84: {  	s26 =	simm.s32 $0x1400;
	s31 =	rddreg [dreg:$0xc];
	[sflag:s18] =	ssyncset.done $0x0  }
0x85: {  	p0 =	por p6, p6;
	[sflag:s18] =	ssyncadd.s32 $0xFFFFF000;
	s4 =	sadd.s32 $0x0, s31  }
.LBB2_2:
0x86: {  	[hbm4b:s4+s2] =	stream.linear.scatter [tilespmem:s20], [sflag:$0x2], $0x1000, $0x38;
	[tilespmem:$0xC980] =	vst v63  }
0x87: {  	s4 =	simm.s32 @!p0 $0x2  }
0x88: {  	_ =	swait.ge @!p0 [sflag:s4], $0x1000  }
0x89: {  	s5 =	sshra.s32 s26, $0x2;
	[sflag:s4] =	ssyncset.done @!p0 $0x0  }
0x8a: {  	s6 =	sadd.s32 $0x1480, s5;
	[sflag:s4] =	ssyncadd.s32 @!p0 $0xFFFFF000  }
0x8b: {  	[tilespmem:s0], [sflag:$0x1] =	stream.indirect.gather [hbm4b:s3+s16], $0x20, s6, s16, $0xb8;
	[tilespmem:$0xC980] =	vst v63  }
0x8c: {  	_ =	swait.ge [sflag:s18], $0x1000  }
0x8d: {  	s9 =	rddreg [dreg:$0xd];
	[sflag:s18] =	ssyncset.done $0x0  }
0x8e: {  	[sflag:s18] =	ssyncadd.s32 $0xFFFFF000;
	s6 =	sadd.s32 s26, s9  }
0x8f: {  	[hbm4b:s6+s2] =	stream.linear.scatter [tilespmem:s17], [sflag:$0x2], $0x1000, $0x38;
	[tilespmem:$0xC980] =	vst v63  }
0x90: {  	_ =	swait.ge @!p0 [sflag:s4], $0x1000  }
0x91: {  	[sflag:s4] =	ssyncset.done @!p0 $0x0  }
0x92: {  	s10 =	sadd.s32 $0x1500, s5;
	[sflag:s4] =	ssyncadd.s32 @!p0 $0xFFFFF000  }
0x93: {  	[tilespmem:s20], [sflag:$0x1] =	stream.indirect.gather [hbm4b:s3+s16], $0x20, s10, s16, $0xb8;
	[tilespmem:$0xC980] =	vst v63  }
0x94: {  	_ =	swait.ge [sflag:s18], $0x1000  }
0x95: {  	s31 =	smov.u32 s29;
	s11 =	rddreg [dreg:$0xb];
	[sflag:s18] =	ssyncset.done $0x0  }
0x96: {  	p2 =	seq.s32 s31, $0x0;
	[sflag:s18] =	ssyncadd.s32 $0xFFFFF000;
	s4 =	sadd.s32 s26, s11  }
0x97: {  	[hbm4b:s4+s2] =	stream.linear.scatter [tilespmem:s19], [sflag:$0x2], $0x1000, $0x38;
	[tilespmem:$0xC980] =	vst v63  }
0x98: {  	p0 =	por p2, p2;
	p2 =	seq.s32 s26, $0x5000;
	_ =	swait.ge [sflag:s22], $0x1000  }
0x99: {  	s5 =	sshra.s32 @!p2 s26, $0x2;
	s6 =	simm.s32 @!p2 $0x2980;
	[sflag:s22] =	ssyncset.done $0x0  }
0x9a: {  	s7 =	sadd.s32 @!p2 $0x1580, s5;
	s4 =	simm.s32 @!p2 $0x80;
	[sflag:s22] =	ssyncadd.s32 $0xFFFFF000  }
0x9b: {  	[tilespmem:s6], [sflag:$0x1] =	stream.indirect.gather @!p2 [hbm4b:s3+s4], $0x20, s7, s4, $0xb8;
	[tilespmem:$0xC980] =	vst v63  }
0x9c: {  	_ =	swait.ge [sflag:s18], $0x1000  }
0x9d: {  	s14 =	rddreg [dreg:$0xa];
	[sflag:s18] =	ssyncset.done $0x0  }
0x9e: {  	[sflag:s18] =	ssyncadd.s32 $0xFFFFF000;
	s14 =	sadd.s32 s26, s14  }
0x9f: {  	[hbm4b:s14+s2] =	stream.linear.scatter [tilespmem:s21], [sflag:$0x2], $0x1000, $0x38;
	[tilespmem:$0xC980] =	vst v63  }
0xa0: {  	_ =	swait.ge [sflag:s22], $0x1000  }
0xa1: {  	[sflag:s22] =	ssyncset.done $0x0  }
0xa2: {  	s10 =	sadd.s32 @!p2 $0x1600, s5;
	s14 =	simm.s32 @!p2 $0x3980;
	[sflag:s22] =	ssyncadd.s32 $0xFFFFF000  }
0xa3: {  	[tilespmem:s14], [sflag:$0x1] =	stream.indirect.gather @!p2 [hbm4b:s3+s4], $0x20, s10, s4, $0xb8;
	[tilespmem:$0xC980] =	vst v63  }
0xa4: {  	_ =	swait.ge [sflag:s18], $0x1000  }
0xa5: {  	s14 =	rddreg [dreg:$0x9];
	[sflag:s18] =	ssyncset.done $0x0  }
0xa6: {  	[sflag:s18] =	ssyncadd.s32 $0xFFFFF000;
	s10 =	sadd.s32 s26, s14  }
0xa7: {  	[hbm4b:s10+s2] =	stream.linear.scatter [tilespmem:s23], [sflag:$0x2], $0x1000, $0x38;
	[tilespmem:$0xC980] =	vst v63  }
0xa8: {  	_ =	swait.ge [sflag:s22], $0x1000  }
0xa9: {  	[sflag:s22] =	ssyncset.done $0x0  }
0xaa: {  	s11 =	sadd.s32 @!p2 $0x1680, s5;
	s10 =	simm.s32 @!p2 $0x4980;
	[sflag:s22] =	ssyncadd.s32 $0xFFFFF000  }
0xab: {  	[tilespmem:s10], [sflag:$0x1] =	stream.indirect.gather @!p2 [hbm4b:s3+s4], $0x20, s11, s4, $0xb8;
	[tilespmem:$0xC980] =	vst v63  }
0xac: {  	_ =	swait.ge [sflag:s18], $0x1000  }
0xad: {  	s11 =	rddreg [dreg:$0x8];
	[sflag:s18] =	ssyncset.done $0x0  }
0xae: {  	[sflag:s18] =	ssyncadd.s32 $0xFFFFF000;
	s10 =	sadd.s32 s26, s11  }
0xaf: {  	[hbm4b:s10+s2] =	stream.linear.scatter [tilespmem:s25], [sflag:$0x2], $0x1000, $0x38;
	[tilespmem:$0xC980] =	vst v63  }
0xb0: {  	_ =	swait.ge [sflag:s22], $0x1000  }
0xb1: {  	[sflag:s22] =	ssyncset.done $0x0  }
0xb2: {  	s9 =	sadd.s32 @!p2 $0x1700, s5;
	s10 =	simm.s32 @!p2 $0x5980;
	[sflag:s22] =	ssyncadd.s32 $0xFFFFF000  }
0xb3: {  	[tilespmem:s10], [sflag:$0x1] =	stream.indirect.gather @!p2 [hbm4b:s3+s4], $0x20, s9, s4, $0xb8;
	[tilespmem:$0xC980] =	vst v63  }
0xb4: {  	_ =	swait.ge [sflag:s18], $0x1000  }
0xb5: {  	s14 =	rddreg [dreg:$0x7];
	[sflag:s18] =	ssyncset.done $0x0  }
0xb6: {  	[sflag:s18] =	ssyncadd.s32 $0xFFFFF000;
	s9 =	sadd.s32 s26, s14  }
0xb7: {  	[hbm4b:s9+s2] =	stream.linear.scatter [tilespmem:s28], [sflag:$0x2], $0x1000, $0x38;
	[tilespmem:$0xC980] =	vst v63  }
0xb8: {  	_ =	swait.ge [sflag:s22], $0x1000  }
0xb9: {  	[sflag:s22] =	ssyncset.done $0x0  }
0xba: {  	s8 =	sadd.s32 @!p2 $0x1780, s5;
	s9 =	simm.s32 @!p2 $0x6980;
	[sflag:s22] =	ssyncadd.s32 $0xFFFFF000  }
0xbb: {  	[tilespmem:s9], [sflag:$0x1] =	stream.indirect.gather @!p2 [hbm4b:s3+s4], $0x20, s8, s4, $0xb8;
	[tilespmem:$0xC980] =	vst v63  }
0xbc: {  	_ =	swait.ge [sflag:s18], $0x1000  }
0xbd: {  	s9 =	rddreg [dreg:$0x6];
	[sflag:s18] =	ssyncset.done $0x0  }
0xbe: {  	[sflag:s18] =	ssyncadd.s32 $0xFFFFF000;
	s8 =	sadd.s32 s26, s9  }
0xbf: {  	[hbm4b:s8+s2] =	stream.linear.scatter [tilespmem:s30], [sflag:$0x2], $0x1000, $0x38;
	[tilespmem:$0xC980] =	vst v63  }
0xc0: {  	_ =	swait.ge [sflag:s22], $0x1000  }
0xc1: {  	[sflag:s22] =	ssyncset.done $0x0  }
0xc2: {  	s7 =	sadd.s32 @!p2 $0x1800, s5;
	s8 =	simm.s32 @!p2 $0x7980;
	[sflag:s22] =	ssyncadd.s32 $0xFFFFF000  }
0xc3: {  	[tilespmem:s8], [sflag:$0x1] =	stream.indirect.gather @!p2 [hbm4b:s3+s4], $0x20, s7, s4, $0xb8;
	[tilespmem:$0xC980] =	vst v63  }
0xc4: {  	_ =	swait.ge [sflag:s18], $0x1000  }
0xc5: {  	s10 =	rddreg [dreg:$0x5];
	[sflag:s18] =	ssyncset.done $0x0  }
0xc6: {  	[sflag:s18] =	ssyncadd.s32 $0xFFFFF000;
	s7 =	sadd.s32 s26, s10  }
0xc7: {  	[hbm4b:s7+s2] =	stream.linear.scatter [tilespmem:s1], [sflag:$0x2], $0x1000, $0x38;
	[tilespmem:$0xC980] =	vst v63  }
0xc8: {  	_ =	swait.ge [sflag:s22], $0x1000  }
0xc9: {  	[sflag:s22] =	ssyncset.done $0x0  }
0xca: {  	s6 =	sadd.s32 @!p2 $0x1880, s5;
	s7 =	simm.s32 @!p2 $0x8980;
	[sflag:s22] =	ssyncadd.s32 $0xFFFFF000  }
0xcb: {  	[tilespmem:s7], [sflag:$0x1] =	stream.indirect.gather @!p2 [hbm4b:s3+s4], $0x20, s6, s4, $0xb8;
	[tilespmem:$0xC980] =	vst v63  }
0xcc: {  	_ =	swait.ge [sflag:s18], $0x1000  }
0xcd: {  	s11 =	rddreg [dreg:$0xe];
	[sflag:s18] =	ssyncset.done $0x0  }
0xce: {  	[sflag:s18] =	ssyncadd.s32 $0xFFFFF000;
	s6 =	sadd.s32 s26, s11  }
0xcf: {  	[hbm4b:s6+s2] =	stream.linear.scatter [tilespmem:s0], [sflag:$0x2], $0x1000, $0x38;
	[tilespmem:$0xC980] =	vst v63  }
0xd0: {  	s29 =	sadd.s32 $0x1400, s29;
	_ =	swait.ge [sflag:s22], $0x1000  }
0xd1: {  	p1 =	sne.s32 s29, $0x6400;
	s5 =	sadd.s32 @!p2 $0x1900, s5;
	[sflag:s22] =	ssyncset.done $0x0  }
.Ltmp0:
0xd2: {  	s6 =	simm.s32 @!p2 $0x9980;
	[sflag:s22] =	ssyncadd.s32 $0xFFFFF000;
	(pc) =	sbr.rel @p1 .LBB2_2-.Ltmp0, $4  }
0xd3: {  	[tilespmem:s6], [sflag:$0x1] =	stream.indirect.gather @!p2 [hbm4b:s3+s4], $0x20, s5, s4, $0xb8;
	[tilespmem:$0xC980] =	vst v63  }
0xd4: {  	_ =	swait.ge [sflag:s18], $0x1000  }
0xd5: {  	[sflag:s18] =	ssyncset.done $0x0;
	s14 =	rddreg [dreg:$0xc]  }
0xd6: {  	[sflag:s18] =	ssyncadd.s32 $0xFFFFF000;
	s4 =	sadd.s32 s26, s14;
	s26 =	smov.u32 s31  }
0xd7: {  	[hbm4b:s4+s2] =	stream.linear.scatter [tilespmem:s20], [sflag:$0x2], $0x1000, $0x38;
	[tilespmem:$0xC980] =	vst v63  }
0xd8: {  	s4 =	simm.s32 @!p0 $0x2  }
0xd9: {  	_ =	swait.ge @!p0 [sflag:s4], $0x1000  }
0xda: {  	s5 =	sshra.s32 s26, $0x2;
	[sflag:s4] =	ssyncset.done @!p0 $0x0  }
0xdb: {  	s6 =	sadd.s32 $0x1480, s5;
	[sflag:s4] =	ssyncadd.s32 @!p0 $0xFFFFF000  }
0xdc: {  	[tilespmem:s0], [sflag:$0x1] =	stream.indirect.gather [hbm4b:s3+s16], $0x20, s6, s16, $0xb8;
	[tilespmem:$0xC980] =	vst v63  }
0xdd: {  	_ =	swait.ge [sflag:s18], $0x1000  }
0xde: {  	s31 =	rddreg [dreg:$0xd];
	[sflag:s18] =	ssyncset.done $0x0  }
0xdf: {  	[sflag:s18] =	ssyncadd.s32 $0xFFFFF000;
	s6 =	sadd.s32 s26, s31  }
0xe0: {  	[hbm4b:s6+s2] =	stream.linear.scatter [tilespmem:s17], [sflag:$0x2], $0x1000, $0x38;
	[tilespmem:$0xC980] =	vst v63  }
0xe1: {  	_ =	swait.ge @!p0 [sflag:s4], $0x1000  }
0xe2: {  	[sflag:s4] =	ssyncset.done @!p0 $0x0  }
0xe3: {  	s7 =	sadd.s32 $0x1500, s5;
	[sflag:s4] =	ssyncadd.s32 @!p0 $0xFFFFF000  }
0xe4: {  	[tilespmem:s20], [sflag:$0x1] =	stream.indirect.gather [hbm4b:s3+s16], $0x20, s7, s16, $0xb8;
	[tilespmem:$0xC980] =	vst v63  }
0xe5: {  	_ =	swait.ge [sflag:s18], $0x1000  }
0xe6: {  	s8 =	rddreg [dreg:$0xb];
	[sflag:s18] =	ssyncset.done $0x0  }
0xe7: {  	[sflag:s18] =	ssyncadd.s32 $0xFFFFF000;
	s4 =	sadd.s32 s26, s8  }
0xe8: {  	[hbm4b:s4+s2] =	stream.linear.scatter [tilespmem:s19], [sflag:$0x2], $0x1000, $0x38;
	[tilespmem:$0xC980] =	vst v63  }
0xe9: {  	p0 =	seq.s32 s26, $0x5000;
	_ =	swait.ge [sflag:s22], $0x1000  }
0xea: {  	s6 =	simm.s32 @!p0 $0x2980;
	s4 =	sshra.s32 @!p0 s26, $0x2;
	[sflag:s22] =	ssyncset.done $0x0  }
0xeb: {  	s5 =	simm.s32 @!p0 $0x80;
	s7 =	sadd.s32 @!p0 $0x1580, s4;
	[sflag:s22] =	ssyncadd.s32 $0xFFFFF000  }
0xec: {  	[tilespmem:s6], [sflag:$0x1] =	stream.indirect.gather @!p0 [hbm4b:s3+s5], $0x20, s7, s5, $0xb8;
	[tilespmem:$0xC980] =	vst v63  }
0xed: {  	_ =	swait.ge [sflag:s18], $0x1000  }
0xee: {  	s9 =	rddreg [dreg:$0xa];
	[sflag:s18] =	ssyncset.done $0x0  }
0xef: {  	[sflag:s18] =	ssyncadd.s32 $0xFFFFF000;
	s6 =	sadd.s32 s26, s9  }
0xf0: {  	[hbm4b:s6+s2] =	stream.linear.scatter [tilespmem:s21], [sflag:$0x2], $0x1000, $0x38;
	[tilespmem:$0xC980] =	vst v63  }
0xf1: {  	_ =	swait.ge [sflag:s22], $0x1000  }
0xf2: {  	[sflag:s22] =	ssyncset.done $0x0  }
0xf3: {  	s7 =	simm.s32 @!p0 $0x3980;
	s6 =	sadd.s32 @!p0 $0x1600, s4;
	[sflag:s22] =	ssyncadd.s32 $0xFFFFF000  }
0xf4: {  	[tilespmem:s7], [sflag:$0x1] =	stream.indirect.gather @!p0 [hbm4b:s3+s5], $0x20, s6, s5, $0xb8;
	[tilespmem:$0xC980] =	vst v63  }
0xf5: {  	_ =	swait.ge [sflag:s18], $0x1000  }
0xf6: {  	s10 =	rddreg [dreg:$0x9];
	[sflag:s18] =	ssyncset.done $0x0  }
0xf7: {  	[sflag:s18] =	ssyncadd.s32 $0xFFFFF000;
	s6 =	sadd.s32 s26, s10  }
0xf8: {  	[hbm4b:s6+s2] =	stream.linear.scatter [tilespmem:s23], [sflag:$0x2], $0x1000, $0x38;
	[tilespmem:$0xC980] =	vst v63  }
0xf9: {  	_ =	swait.ge [sflag:s22], $0x1000  }
0xfa: {  	[sflag:s22] =	ssyncset.done $0x0  }
0xfb: {  	s7 =	simm.s32 @!p0 $0x4980;
	s6 =	sadd.s32 @!p0 $0x1680, s4;
	[sflag:s22] =	ssyncadd.s32 $0xFFFFF000  }
0xfc: {  	[tilespmem:s7], [sflag:$0x1] =	stream.indirect.gather @!p0 [hbm4b:s3+s5], $0x20, s6, s5, $0xb8;
	[tilespmem:$0xC980] =	vst v63  }
0xfd: {  	_ =	swait.ge [sflag:s18], $0x1000  }
0xfe: {  	s11 =	rddreg [dreg:$0x8];
	[sflag:s18] =	ssyncset.done $0x0  }
0xff: {  	[sflag:s18] =	ssyncadd.s32 $0xFFFFF000;
	s6 =	sadd.s32 s26, s11  }
0x100: {  	[hbm4b:s6+s2] =	stream.linear.scatter [tilespmem:s25], [sflag:$0x2], $0x1000, $0x38;
	[tilespmem:$0xC980] =	vst v63  }
0x101: {  	_ =	swait.ge [sflag:s22], $0x1000  }
0x102: {  	[sflag:s22] =	ssyncset.done $0x0  }
0x103: {  	s7 =	simm.s32 @!p0 $0x5980;
	s6 =	sadd.s32 @!p0 $0x1700, s4;
	[sflag:s22] =	ssyncadd.s32 $0xFFFFF000  }
0x104: {  	[tilespmem:s7], [sflag:$0x1] =	stream.indirect.gather @!p0 [hbm4b:s3+s5], $0x20, s6, s5, $0xb8;
	[tilespmem:$0xC980] =	vst v63  }
0x105: {  	_ =	swait.ge [sflag:s18], $0x1000  }
0x106: {  	s14 =	rddreg [dreg:$0x7];
	[sflag:s18] =	ssyncset.done $0x0  }
0x107: {  	[sflag:s18] =	ssyncadd.s32 $0xFFFFF000;
	s6 =	sadd.s32 s26, s14  }
0x108: {  	[hbm4b:s6+s2] =	stream.linear.scatter [tilespmem:s28], [sflag:$0x2], $0x1000, $0x38;
	[tilespmem:$0xC980] =	vst v63  }
0x109: {  	_ =	swait.ge [sflag:s22], $0x1000  }
0x10a: {  	[sflag:s22] =	ssyncset.done $0x0  }
0x10b: {  	s7 =	simm.s32 @!p0 $0x6980;
	s6 =	sadd.s32 @!p0 $0x1780, s4;
	[sflag:s22] =	ssyncadd.s32 $0xFFFFF000  }
0x10c: {  	[tilespmem:s7], [sflag:$0x1] =	stream.indirect.gather @!p0 [hbm4b:s3+s5], $0x20, s6, s5, $0xb8;
	[tilespmem:$0xC980] =	vst v63  }
0x10d: {  	_ =	swait.ge [sflag:s18], $0x1000  }
0x10e: {  	s29 =	rddreg [dreg:$0x6];
	[sflag:s18] =	ssyncset.done $0x0  }
0x10f: {  	[sflag:s18] =	ssyncadd.s32 $0xFFFFF000;
	s6 =	sadd.s32 s26, s29  }
0x110: {  	[hbm4b:s6+s2] =	stream.linear.scatter [tilespmem:s30], [sflag:$0x2], $0x1000, $0x38;
	[tilespmem:$0xC980] =	vst v63  }
0x111: {  	_ =	swait.ge [sflag:s22], $0x1000  }
0x112: {  	[sflag:s22] =	ssyncset.done $0x0  }
0x113: {  	s7 =	simm.s32 @!p0 $0x7980;
	s6 =	sadd.s32 @!p0 $0x1800, s4;
	[sflag:s22] =	ssyncadd.s32 $0xFFFFF000  }
0x114: {  	[tilespmem:s7], [sflag:$0x1] =	stream.indirect.gather @!p0 [hbm4b:s3+s5], $0x20, s6, s5, $0xb8;
	[tilespmem:$0xC980] =	vst v63  }
0x115: {  	_ =	swait.ge [sflag:s18], $0x1000  }
0x116: {  	s31 =	rddreg [dreg:$0x5];
	[sflag:s18] =	ssyncset.done $0x0  }
0x117: {  	[sflag:s18] =	ssyncadd.s32 $0xFFFFF000;
	s6 =	sadd.s32 s26, s31  }
0x118: {  	[hbm4b:s6+s2] =	stream.linear.scatter [tilespmem:s1], [sflag:$0x2], $0x1000, $0x38;
	[tilespmem:$0xC980] =	vst v63  }
0x119: {  	_ =	swait.ge [sflag:s22], $0x1000  }
0x11a: {  	[sflag:s22] =	ssyncset.done $0x0  }
0x11b: {  	s7 =	simm.s32 @!p0 $0x8980;
	s6 =	sadd.s32 @!p0 $0x1880, s4;
	[sflag:s22] =	ssyncadd.s32 $0xFFFFF000  }
0x11c: {  	[tilespmem:s7], [sflag:$0x1] =	stream.indirect.gather @!p0 [hbm4b:s3+s5], $0x20, s6, s5, $0xb8;
	[tilespmem:$0xC980] =	vst v63  }
0x11d: {  	_ =	swait.ge [sflag:s18], $0x1000  }
0x11e: {  	s7 =	rddreg [dreg:$0xe];
	[sflag:s18] =	ssyncset.done $0x0  }
0x11f: {  	[sflag:s18] =	ssyncadd.s32 $0xFFFFF000;
	s6 =	sadd.s32 s26, s7  }
0x120: {  	[hbm4b:s6+s2] =	stream.linear.scatter [tilespmem:s0], [sflag:$0x2], $0x1000, $0x38;
	[tilespmem:$0xC980] =	vst v63  }
0x121: {  	_ =	swait.ge [sflag:s22], $0x1000  }
0x122: {  	[sflag:s22] =	ssyncset.done $0x0  }
0x123: {  	s4 =	sadd.s32 @!p0 $0x1900, s4;
	s6 =	simm.s32 @!p0 $0x9980;
	[sflag:s22] =	ssyncadd.s32 $0xFFFFF000  }
0x124: {  	[tilespmem:s6], [sflag:$0x1] =	stream.indirect.gather @!p0 [hbm4b:s3+s5], $0x20, s4, s5, $0xb8;
	[tilespmem:$0xC980] =	vst v63  }
0x125: {  	_ =	swait.ge [sflag:s18], $0x1000  }
0x126: {  	s8 =	rddreg [dreg:$0xc];
	[sflag:s18] =	ssyncset.done $0x0  }
0x127: {  	s4 =	sadd.s32 s26, s8;
	[sflag:s18] =	ssyncadd.s32 $0xFFFFF000  }
0x128: {  	[hbm4b:s4+s2] =	stream.linear.scatter [tilespmem:s20], [sflag:$0x2], $0x1000, $0x38;
	[tilespmem:$0xC980] =	vst v63  }
0x129: {  	_ =	swait.ge [sflag:s22], $0x1000  }
0x12a: {  	[sflag:s22] =	ssyncset.done $0x0  }
0x12b: {  	[sflag:s22] =	ssyncadd.s32 $0xFFFFF000  }
0x12c: {  	_ =	swait.ge [sflag:s22], $0x1000  }
0x12d: {  	[sflag:s22] =	ssyncset.done $0x0  }
0x12e: {  	s9 =	rddreg [dreg:$0x12];
	[sflag:s22] =	ssyncadd.s32 $0xFFFFF000  }
0x12f: {  	[tilespmem:s2], [sflag:$0x3] =	stream.linear.gather [hbm4b:s9+s2], $0x80, $0x38;
	[tilespmem:$0xC980] =	vst v63  }
0x130: {  	_ =	swait.ge [sflag:s15], $0x80  }
0x131: {  	[sflag:s15] =	ssyncset.done $0x0  }
0x132: {  	s10 =	rddreg [dreg:$0xf];
	[sflag:s15] =	ssyncadd.s32 $0xFFFFFF80  }
0x133: {  	[tilespmem:s16], [sflag:$0x1] =	stream.indirect.gather [hbm4b:s10+s16], $0x20, s2, s16, $0xb8;
	[tilespmem:$0xC980] =	vst v63  }
0x134: {  	_ =	swait.ge [sflag:s18], $0x1000  }
0x135: {  	[sflag:s18] =	ssyncset.done $0x0  }
0x136: {  	s11 =	rddreg [dreg:$0x13];
	[sflag:s18] =	ssyncadd.s32 $0xFFFFF000  }
0x137: {  	[hbm4b:s11+s2] =	stream.linear.scatter [tilespmem:s16], [sflag:$0x3], $0x1000, $0x38;
	[tilespmem:$0xC980] =	vst v63  }
0x138: {  	_ =	swait.ge [sflag:s15], $0x1000  }
0x139: {  	[sflag:s15] =	ssyncset.done $0x0  }
0x13a: {  	s14 =	rddreg [dreg:$0x14];
	[sflag:s15] =	ssyncadd.s32 $0xFFFFF000  }
0x13b: {  	[tilespmem:s2], [sflag:$0x3] =	stream.linear.gather [hbm4b:s14+s2], $0x80, $0x38;
	[tilespmem:$0xC980] =	vst v63  }
0x13c: {  	_ =	swait.ge [sflag:s15], $0x80  }
0x13d: {  	[sflag:s15] =	ssyncset.done $0x0  }
0x13e: {  	[sflag:s15] =	ssyncadd.s32 $0xFFFFFF80  }
0x13f: {  	[tilespmem:s16], [sflag:$0x1] =	stream.indirect.gather [hbm4b:s3+s16], $0x20, s2, s16, $0xb8;
	[tilespmem:$0xC980] =	vst v63  }
0x140: {  	_ =	swait.ge [sflag:s18], $0x1000  }
0x141: {  	[sflag:s18] =	ssyncset.done $0x0  }
0x142: {  	s26 =	rddreg [dreg:$0x15];
	[sflag:s18] =	ssyncadd.s32 $0xFFFFF000  }
0x143: {  	[hbm4b:s26+s2] =	stream.linear.scatter [tilespmem:s16], [sflag:$0x3], $0x1000, $0x38;
	[tilespmem:$0xC980] =	vst v63  }
0x144: {  	_ =	swait.ge [sflag:s15], $0x1000  }
0x145: {  	[sflag:s15] =	ssyncset.done $0x0  }
0x146: {  	s29 =	rddreg [dreg:$0x16];
	[sflag:s15] =	ssyncadd.s32 $0xFFFFF000  }
0x147: {  	[tilespmem:s2], [sflag:$0x3] =	stream.linear.gather [hbm4b:s29+s2], $0x80, $0x38;
	[tilespmem:$0xC980] =	vst v63  }
0x148: {  	_ =	swait.ge [sflag:s15], $0x80  }
0x149: {  	[sflag:s15] =	ssyncset.done $0x0  }
0x14a: {  	s31 =	rddreg [dreg:$0x10];
	[sflag:s15] =	ssyncadd.s32 $0xFFFFFF80  }
0x14b: {  	[tilespmem:s16], [sflag:$0x1] =	stream.indirect.gather [hbm4b:s31+s16], $0x20, s2, s16, $0xb8;
	[tilespmem:$0xC980] =	vst v63  }
0x14c: {  	s24 =	sadd.s32 $0x1, s24;
	_ =	swait.ge [sflag:s18], $0x1000  }
0x14d: {  	p0 =	sne.s32 s24, s13;
	[sflag:s18] =	ssyncset.done $0x0  }
.Ltmp1:
0x14e: {  	[sflag:s18] =	ssyncadd.s32 $0xFFFFF000;
	(pc) =	sbr.rel @p0 .LBB2_1-.Ltmp1, $4  }
0x14f: {  	[hbm4b:s12+s2] =	stream.linear.scatter [tilespmem:s16], [sflag:$0x3], $0x1000, $0x38;
	[tilespmem:$0xC980] =	vst v63  }
0x150: {  	_ =	swait.ge [sflag:s15], $0x1000  }
0x151: {  	[sflag:s15] =	ssyncset.done $0x0  }
0x152: {  	[sflag:s15] =	ssyncadd.s32 $0xFFFFF000  }
0x153: {  	_ =	sfence.sel $0x180000  }
0x154: {  	[bflag:$0x0] =	sbarrier.arrive $0xFFFF  }
0x155: {  	_ =	strace $0x90000047  }
0x156: {  	s0 =	stileid.u32;
	[bflag:$0x2] =	sbarrier.arrive $0xFFFF  }
0x157: {  	p0 =	sne.s32 s0, $0x0;
	s0 =	rddreg [dreg:$0x4]  }
0x158: {  	s0 =	sadd.s32 @!p0 $0x100000, s0  }
0x159: {  	[sflag:s0] =	ssyncadd.tile.s32 @!p0 $0x1;
	_ =	shalt  }
.Lfunc_end2:
_tile_overlayer_lowered:
.L_overlay_start_2:
0x15a: {  	(tag) =	ssettag $0x2  }
0x15b: {  	s0 =	rddreg [dreg:$0x0];
	s2 =	stileid.u32  }
0x15c: {  	s1 =	rddreg [dreg:$0x1];
	p0 =	sne.s32 s2, $0x0  }
0x15d: {  	s3 =	rddreg [dreg:$0x2];
	[bflag:$0x3] =	sbarrier.arrive $0xFFFF;
	s2 =	simm.s32 @!p0 $0x1C03  }
0x15e: {  	[timem:s3], [sflag:s2] =	dma.local @!p0 [hbm:s0], s1  }
0x15f: {  	s0 =	simm.s32 @!p0 $0x3  }
0x160: {  	_ =	swait.ge @!p0 [sflag:s0], s1  }
0x161: {  	s1 =	ssub.s32 @!p0 $0x0, s1;
	[sflag:s0] =	ssyncset.done @!p0 $0x0  }
0x162: {  	[sflag:s0] =	ssyncadd.s32 @!p0 s1  }
0x163: {  	[bflag:$0x3] =	sbarrier.arrive $0xFFFF  }
0x164: {  	_ =	shalt  }

</sc_bundles>
